<compile_context>
chip_gen: v7x
topology: tpu7x:2x2x1
jax: 0.10.2.dev20260603
libtpu: 0.0.44.dev20260713+nightly
codegen_flags: <defaults>
</compile_context>

<pallas_src>
import functools
import math

import jax
import jax.numpy as jnp
from jax import lax
from jax.experimental import pallas as pl
from jax.experimental.pallas import tpu as pltpu
from jax.experimental.pallas import tpu_sc as plsc

NSAMP = 30
NTOP = 32
FILL = -1e9


def _sample_body(keys_ref, logits_ref, lab_ref):
    K, NN = logits_ref.shape
    k0 = keys_ref[0, 0, 0]
    k1 = keys_ref[0, 0, 1]
    ks = [k0, k1, k0 ^ k1 ^ jnp.uint32(0x1BD11BDA)]
    l = lax.broadcasted_iota(jnp.uint32, (K, NN), 0) * jnp.uint32(NN) + \
        lax.broadcasted_iota(jnp.uint32, (K, NN), 1)
    x0 = jnp.zeros((K, NN), jnp.uint32) + k0
    x1 = l + k1
    rotations = [[13, 15, 26, 6], [17, 29, 16, 24]]
    for i in range(5):
        for r in rotations[i % 2]:
            x0 = x0 + x1
            x1 = (x1 << jnp.uint32(r)) | (x1 >> jnp.uint32(32 - r))
            x1 = x1 ^ x0
        x0 = x0 + ks[(i + 1) % 3]
        x1 = x1 + ks[(i + 2) % 3] + jnp.uint32(i + 1)
    bits = x0 ^ x1
    fb = (bits >> jnp.uint32(9)) | jnp.uint32(0x3F800000)
    floats = lax.bitcast_convert_type(fb, jnp.float32) - 1.0
    tiny = jnp.float32(1.1754944e-38)
    u = jnp.maximum(tiny, floats * (jnp.float32(1.0) - tiny) + tiny)
    g = -jnp.log(-jnp.log(u))

    v = g + logits_ref[...]
    mx = jnp.max(v, axis=-1, keepdims=True)
    ii = lax.broadcasted_iota(jnp.int32, (K, NN), 1)
    lab = jnp.min(jnp.where(v == mx, ii, jnp.int32(2**31 - 1)), axis=-1)
    lab_ref[0, 0, :] = lab


def _sample_labels(keys, logits):
    S = keys.shape[0]
    K, NN = logits.shape
    return pl.pallas_call(
        _sample_body,
        grid=(S,),
        in_specs=[
            pl.BlockSpec((1, 1, 2), lambda s: (s, 0, 0), memory_space=pltpu.SMEM),
            pl.BlockSpec((K, NN), lambda s: (0, 0)),
        ],
        out_specs=pl.BlockSpec((1, 1, K), lambda s: (s, 0, 0)),
        out_shape=jax.ShapeDtypeStruct((S, 1, K), jnp.int32),
    )(keys, logits)


def _bias_body(am_ref, badd_ref):
    BN, K = am_ref.shape
    a = am_ref[...]
    ai = lax.bitcast_convert_type(a, jnp.int32)

    def bisect(_, carry):
        lo, hi = carry
        m = lo + (hi - lo) // 2
        cnt = jnp.sum((ai > m).astype(jnp.int32), axis=-1, keepdims=True)
        pred = cnt >= NTOP
        return jnp.where(pred, m, lo), jnp.where(pred, hi, m)

    lo0 = jnp.full((BN, 1), -1, jnp.int32)
    hi0 = jnp.full((BN, 1), 0x7F800000, jnp.int32)
    _, t = lax.fori_loop(0, 31, bisect, (lo0, hi0))
    gt = jnp.sum((ai > t).astype(jnp.int32), axis=-1, keepdims=True)
    eq = ai == t
    tri = (
        lax.broadcasted_iota(jnp.int32, (K, K), 0)
        < lax.broadcasted_iota(jnp.int32, (K, K), 1)
    ).astype(jnp.float32)
    pc = jnp.dot(eq.astype(jnp.float32), tri, preferred_element_type=jnp.float32)
    sel = (ai > t) | (eq & (pc < (NTOP - gt).astype(jnp.float32)))
    badd_ref[...] = jnp.where(sel, jnp.log(a + 1e-6), jnp.float32(FILL))


def _build_bias(am2, block_n):
    N, K = am2.shape
    return pl.pallas_call(
        _bias_body,
        grid=(N // block_n,),
        in_specs=[pl.BlockSpec((block_n, K), lambda nb: (nb, 0))],
        out_specs=pl.BlockSpec((block_n, K), lambda nb: (nb, 0)),
        out_shape=jax.ShapeDtypeStruct((N, K), jnp.float32),
    )(am2)


def _sc_gather(table, idx3, n_chunks, chunk):
    info = plsc.get_sparse_core_info()
    NC, NS = info.num_cores, info.num_subcores
    NW = NC * NS
    D = table.shape[-1]
    mesh = plsc.VectorSubcoreMesh(core_axis_name="c", subcore_axis_name="s")

    @functools.partial(
        pl.kernel,
        mesh=mesh,
        out_type=jax.ShapeDtypeStruct((NW, n_chunks, chunk, D), jnp.float32),
        scratch_types=[
            pltpu.VMEM((n_chunks, chunk), jnp.int32),
            pltpu.VMEM((n_chunks, chunk, D), jnp.float32),
            pltpu.SemaphoreType.DMA,
        ],
    )
    def k(table_hbm, idx_hbm, out_hbm, idx_v, rows_v, sem):
        wid = lax.axis_index("s") * NC + lax.axis_index("c")
        pltpu.sync_copy(idx_hbm.at[wid], idx_v)
        copies = [
            pltpu.async_copy(table_hbm.at[idx_v.at[j]], rows_v.at[j], sem)
            for j in range(n_chunks)
        ]
        for c in copies:
            c.wait()
        pltpu.sync_copy(rows_v, out_hbm.at[wid])

    return k(table, idx3)


def _attn_body(x_ref, reps_ref, badd_ref, out_ref, *, nsamp):
    s = pl.program_id(1)
    x = x_ref[...]
    reps = reps_ref[0]
    scores = (
        lax.dot_general(
            x, reps, (((1,), (1,)), ((), ())), preferred_element_type=jnp.float32
        )
        * (1.0 / math.sqrt(x.shape[-1]))
        + badd_ref[...]
    )
    p = jnp.exp(scores)
    p = p / jnp.sum(p, axis=-1, keepdims=True)
    term = jnp.dot(
        p.astype(jnp.bfloat16), reps, preferred_element_type=jnp.float32
    ) * (1.0 / nsamp)

    @pl.when(s == 0)
    def _init():
        out_ref[...] = term

    @pl.when(s > 0)
    def _acc():
        out_ref[...] += term


def _attention(xb, reps3, badd, block_n):
    N, C = xb.shape
    S, K, _ = reps3.shape
    grid = (N // block_n, S)
    return pl.pallas_call(
        functools.partial(_attn_body, nsamp=S),
        grid=grid,
        in_specs=[
            pl.BlockSpec((block_n, C), lambda nb, s: (nb, 0)),
            pl.BlockSpec((1, K, C), lambda nb, s: (s, 0, 0)),
            pl.BlockSpec((block_n, K), lambda nb, s: (nb, 0)),
        ],
        out_specs=pl.BlockSpec((block_n, C), lambda nb, s: (nb, 0)),
        out_shape=jax.ShapeDtypeStruct((N, C), jnp.float32),
    )(xb, reps3, badd)


def kernel(x, amatrix, num_spixels):
    B, N, C = x.shape
    K = amatrix.shape[-1]
    NN = B * N
    x2 = x.reshape(NN, C)
    am2 = amatrix.reshape(NN, K)

    logits = jnp.log(am2.T + 1e-9)
    key = jax.random.key(42)
    keys = jnp.stack(
        [
            jax.random.key_data(jax.random.fold_in(key, i))
            for i in range(NSAMP)
        ]
    ).astype(jnp.uint32).reshape(NSAMP, 1, 2)
    lab = _sample_labels(keys, logits).reshape(NSAMP * K)

    badd = _build_bias(am2, block_n=448)

    n_chunks, chunk = 2, 96
    total = 32 * n_chunks * chunk
    lab_pad = jnp.concatenate([lab, jnp.zeros((total - NSAMP * K,), jnp.int32)])
    idx3 = lab_pad.reshape(32, n_chunks, chunk)
    reps = _sc_gather(x2, idx3, n_chunks, chunk)
    reps3 = reps.reshape(total, C)[: NSAMP * K].reshape(NSAMP, K, C)

    out2 = _attention(
        x2.astype(jnp.bfloat16), reps3.astype(jnp.bfloat16), badd, block_n=448
    )
    return out2.reshape(B, N, C)

# --- scband reference (transcript-rebuilt; emitter-appended) ---
"""Pipeline reference for scband-spintra-att-module-v5-33346126086742 (READ-ONLY COPY).

The authoritative reference and input builder live on the scoring server;
editing this copy changes nothing except your own understanding.
"""

import jax, jax.numpy as jnp
import numpy as np
import math

NSAMPLES = 30
TOPK = 32


def _exact_attn(x, amatrix_flat, num_spixels, sims, indices, labels):
    # x: [B, N, C] pixel features; labels: [B, 1, K//B] sampled representative pixel per superpixel
    B, N, C = x.shape
    K = amatrix_flat.shape[-1]
    x_flat = x.reshape(B * N, C)
    reps = x_flat[labels.reshape(B, -1)]                      # [B, K, C] (B=1)
    scale = 1.0 / math.sqrt(C)
    scores = jnp.einsum('bnc,bkc->bnk', x, reps) * scale      # [B, N, K]
    topk_scores = jnp.take_along_axis(scores, indices, axis=-1)  # [B, N, TOPK]
    biased = topk_scores + jnp.log(sims + 1e-6)
    b_idx = jnp.arange(B)[:, None, None]
    n_idx = jnp.arange(N)[None, :, None]
    fill = jnp.asarray(-1e9, dtype=x.dtype) * jnp.sign(num_spixels).astype(x.dtype)
    masked = jnp.full((B, N, K), 0.0, dtype=x.dtype) + fill
    masked = masked.at[b_idx, n_idx, indices].set(biased)     # sparse top-k mask
    attn = jax.nn.softmax(masked, axis=-1)
    out = jnp.einsum('bnk,bkc->bnc', attn, reps)              # [B, N, C]
    return out


def setup_inputs(seed: int = 0) -> dict:
    key = jax.random.key(seed)
    k1, k2 = jax.random.split(key)
    x = jax.random.normal(k1, (1, 3136, 384), dtype=jnp.float32)
    amatrix = jax.random.uniform(k2, (1, 3136, 196), dtype=jnp.float32)
    return {"x": x, "amatrix": amatrix, "num_spixels": 196}


def reference(x, amatrix, num_spixels):
    B = x.shape[0]
    K = amatrix.shape[-1]
    sims, indices = jax.lax.top_k(amatrix, TOPK)              # [B, N, TOPK]
    am_flat = amatrix.reshape(-1, K)                          # [(B*N), K]
    logits = jnp.log(am_flat.T + 1e-9)                        # [K, B*N], multinomial weights
    key = jax.random.key(42)
    out = None
    for i in range(NSAMPLES):
        lab = jax.random.categorical(jax.random.fold_in(key, i), logits, axis=-1)  # [K]
        labels = lab.reshape(B, K // B, 1).transpose(0, 2, 1)  # [B, 1, K//B]
        term = _exact_attn(x, am_flat, num_spixels, sims, indices, labels) / NSAMPLES
        out = term if out is None else out + term
    return out

if __name__ == "__main__":
    import jax
    _d = setup_inputs()
    print(jax.jit(kernel)(*tuple(_d.values())))

</pallas_src>

<mosaic_0001>
#map = affine_map<(d0, d1) -> (0, 0)>
#map1 = affine_map<(d0, d1) -> (0, 0, 0)>
#map2 = affine_map<(d0, d1) -> (0, 0, 0, 0)>
module attributes {stable_mosaic.version = 14 : i64} {
  func.func @k(%arg0: i32, %arg1: i32, %arg2: memref<3136x384xf32, #tpu.memory_space<hbm>>, %arg3: memref<32x2x96xi32, #tpu.memory_space<hbm>>, %arg4: memref<32x2x96x384xf32, #tpu.memory_space<hbm>>, %arg5: memref<2x96xi32, #tpu.memory_space<vmem>>, %arg6: memref<2x96x384xf32, #tpu.memory_space<vmem>>, %arg7: memref<!tpu.dma_semaphore, #tpu.memory_space<semaphore_mem>>) attributes {dimension_semantics = [#tpu.dimension_semantics<core_parallel>, #tpu.dimension_semantics<subcore_parallel>], iteration_bounds = array<i64: 2, 16>, scalar_prefetch = 0 : i64, scratch_operands = 3 : i64, tpu.core_type = #tpu.core_type<sc_vector_subcore>, window_params = [{transform_indices = #map}, {transform_indices = #map1}, {transform_indices = #map2}]} {
    %mul3A = arith.constant 2 : i32
    %mul3A_0 = arith.muli %arg1, %mul3A : i32
    %add3A = arith.addi %mul3A_0, %arg0 : i32
    "tpu.region"() ({
      %run_scoped3A = tpu.sem_alloc : memref<!tpu.dma_semaphore, #tpu.memory_space<semaphore_mem>>
      %dma_start3A_47 = arith.constant 0 : i32
      %dma_start3A_48 = arith.constant 0 : i32
      %dma_start3A_49 = tpu.memref_slice %arg3[%add3A, %dma_start3A_47, %dma_start3A_48] : memref<32x2x96xi32, #tpu.memory_space<hbm>> -> memref<1x2x96xi32, #tpu.memory_space<hbm>>
      %dma_start3A_50 = tpu.memref_squeeze %dma_start3A_49 : memref<1x2x96xi32, #tpu.memory_space<hbm>> -> memref<2x96xi32, #tpu.memory_space<hbm>>
      %dma_start3A_51 = arith.constant 0 : i32
      %dma_start3A_52 = arith.constant 0 : i32
      %dma_start3A_53 = tpu.memref_slice %arg3[%add3A, %dma_start3A_51, %dma_start3A_52] : memref<32x2x96xi32, #tpu.memory_space<hbm>> -> memref<1x2x96xi32, #tpu.memory_space<hbm>>
      %dma_start3A_54 = tpu.memref_squeeze %dma_start3A_53 : memref<1x2x96xi32, #tpu.memory_space<hbm>> -> memref<2x96xi32, #tpu.memory_space<hbm>>
      tpu.enqueue_dma source(%dma_start3A_54 : memref<2x96xi32, #tpu.memory_space<hbm>>) target(%arg5 : memref<2x96xi32, #tpu.memory_space<vmem>>) target_semaphore(%run_scoped3A : memref<!tpu.dma_semaphore, #tpu.memory_space<semaphore_mem>>)
      %dma_wait3A_55 = arith.constant 0 : i32
      %dma_wait3A_56 = arith.constant 0 : i32
      %dma_wait3A_57 = tpu.memref_slice %arg3[%add3A, %dma_wait3A_55, %dma_wait3A_56] : memref<32x2x96xi32, #tpu.memory_space<hbm>> -> memref<1x2x96xi32, #tpu.memory_space<hbm>>
      %dma_wait3A_58 = tpu.memref_squeeze %dma_wait3A_57 : memref<1x2x96xi32, #tpu.memory_space<hbm>> -> memref<2x96xi32, #tpu.memory_space<hbm>>
      %dma_wait3A_59 = arith.constant 0 : i32
      %dma_wait3A_60 = arith.constant 0 : i32
      %dma_wait3A_61 = tpu.memref_slice %arg3[%add3A, %dma_wait3A_59, %dma_wait3A_60] : memref<32x2x96xi32, #tpu.memory_space<hbm>> -> memref<1x2x96xi32, #tpu.memory_space<hbm>>
      %dma_wait3A_62 = tpu.memref_squeeze %dma_wait3A_61 : memref<1x2x96xi32, #tpu.memory_space<hbm>> -> memref<2x96xi32, #tpu.memory_space<hbm>>
      tpu.wait_dma2 semaphore(%run_scoped3A : memref<!tpu.dma_semaphore, #tpu.memory_space<semaphore_mem>>) src(%dma_wait3A_62 : memref<2x96xi32, #tpu.memory_space<hbm>>) dst(%arg5 : memref<2x96xi32, #tpu.memory_space<vmem>>)
      tpu.yield
    }) : () -> ()
    %dma_start3A = arith.constant 0 : i32
    %dma_start3A_1 = arith.constant 0 : i32
    %dma_start3A_2 = arith.constant 0 : i32
    %dma_start3A_3 = arith.constant 0 : i32
    %dma_start3A_4 = tpu.memref_slice %arg6[%dma_start3A_1, %dma_start3A_2, %dma_start3A_3] : memref<2x96x384xf32, #tpu.memory_space<vmem>> -> memref<1x96x384xf32, #tpu.memory_space<vmem>>
    %dma_start3A_5 = tpu.memref_squeeze %dma_start3A_4 : memref<1x96x384xf32, #tpu.memory_space<vmem>> -> memref<96x384xf32, #tpu.memory_space<vmem>>
    %dma_start3A_6 = arith.constant 0 : i32
    %dma_start3A_7 = tpu.memref_slice %arg5[%dma_start3A, %dma_start3A_6] : memref<2x96xi32, #tpu.memory_space<vmem>> -> memref<1x96xi32, #tpu.memory_space<vmem>>
    %dma_start3A_8 = tpu.memref_squeeze %dma_start3A_7 : memref<1x96xi32, #tpu.memory_space<vmem>> -> memref<96xi32, #tpu.memory_space<vmem>>
    %dma_start3A_9 = arith.constant 0 : i32
    %dma_start3A_10 = arith.constant 0 : i32
    %dma_start3A_11 = tpu.memref_slice %arg2[%dma_start3A_9, %dma_start3A_10] : memref<3136x384xf32, #tpu.memory_space<hbm>> -> memref<3136x384xf32, #tpu.memory_space<hbm>>
    tpu.enqueue_indirect_dma source(%dma_start3A_11 : memref<3136x384xf32, #tpu.memory_space<hbm>>) target(%dma_start3A_5 : memref<96x384xf32, #tpu.memory_space<vmem>>) offsets(%dma_start3A_8 : memref<96xi32, #tpu.memory_space<vmem>>) semaphore(%arg7 : memref<!tpu.dma_semaphore, #tpu.memory_space<semaphore_mem>>)
    %dma_start3A_12 = arith.constant 1 : i32
    %dma_start3A_13 = arith.constant 1 : i32
    %dma_start3A_14 = arith.constant 0 : i32
    %dma_start3A_15 = arith.constant 0 : i32
    %dma_start3A_16 = tpu.memref_slice %arg6[%dma_start3A_13, %dma_start3A_14, %dma_start3A_15] : memref<2x96x384xf32, #tpu.memory_space<vmem>> -> memref<1x96x384xf32, #tpu.memory_space<vmem>>
    %dma_start3A_17 = tpu.memref_squeeze %dma_start3A_16 : memref<1x96x384xf32, #tpu.memory_space<vmem>> -> memref<96x384xf32, #tpu.memory_space<vmem>>
    %dma_start3A_18 = arith.constant 0 : i32
    %dma_start3A_19 = tpu.memref_slice %arg5[%dma_start3A_12, %dma_start3A_18] : memref<2x96xi32, #tpu.memory_space<vmem>> -> memref<1x96xi32, #tpu.memory_space<vmem>>
    %dma_start3A_20 = tpu.memref_squeeze %dma_start3A_19 : memref<1x96xi32, #tpu.memory_space<vmem>> -> memref<96xi32, #tpu.memory_space<vmem>>
    %dma_start3A_21 = arith.constant 0 : i32
    %dma_start3A_22 = arith.constant 0 : i32
    %dma_start3A_23 = tpu.memref_slice %arg2[%dma_start3A_21, %dma_start3A_22] : memref<3136x384xf32, #tpu.memory_space<hbm>> -> memref<3136x384xf32, #tpu.memory_space<hbm>>
    tpu.enqueue_indirect_dma source(%dma_start3A_23 : memref<3136x384xf32, #tpu.memory_space<hbm>>) target(%dma_start3A_17 : memref<96x384xf32, #tpu.memory_space<vmem>>) offsets(%dma_start3A_20 : memref<96xi32, #tpu.memory_space<vmem>>) semaphore(%arg7 : memref<!tpu.dma_semaphore, #tpu.memory_space<semaphore_mem>>)
    %dma_wait3A = arith.constant 0 : i32
    %dma_wait3A_24 = arith.constant 0 : i32
    %dma_wait3A_25 = arith.constant 0 : i32
    %dma_wait3A_26 = arith.constant 0 : i32
    %dma_wait3A_27 = tpu.memref_slice %arg6[%dma_wait3A_24, %dma_wait3A_25, %dma_wait3A_26] : memref<2x96x384xf32, #tpu.memory_space<vmem>> -> memref<1x96x384xf32, #tpu.memory_space<vmem>>
    %dma_wait3A_28 = tpu.memref_squeeze %dma_wait3A_27 : memref<1x96x384xf32, #tpu.memory_space<vmem>> -> memref<96x384xf32, #tpu.memory_space<vmem>>
    %dma_wait3A_29 = arith.constant 0 : i32
    %dma_wait3A_30 = tpu.memref_slice %arg5[%dma_wait3A, %dma_wait3A_29] : memref<2x96xi32, #tpu.memory_space<vmem>> -> memref<1x96xi32, #tpu.memory_space<vmem>>
    %dma_wait3A_31 = tpu.memref_squeeze %dma_wait3A_30 : memref<1x96xi32, #tpu.memory_space<vmem>> -> memref<96xi32, #tpu.memory_space<vmem>>
    %dma_wait3A_32 = arith.constant 0 : i32
    %dma_wait3A_33 = arith.constant 0 : i32
    %dma_wait3A_34 = tpu.memref_slice %arg2[%dma_wait3A_32, %dma_wait3A_33] : memref<3136x384xf32, #tpu.memory_space<hbm>> -> memref<3136x384xf32, #tpu.memory_space<hbm>>
    tpu.wait_indirect_dma semaphore(%arg7 : memref<!tpu.dma_semaphore, #tpu.memory_space<semaphore_mem>>) src(%dma_wait3A_34 : memref<3136x384xf32, #tpu.memory_space<hbm>>) dst(%dma_wait3A_28 : memref<96x384xf32, #tpu.memory_space<vmem>>)
    %dma_wait3A_35 = arith.constant 1 : i32
    %dma_wait3A_36 = arith.constant 1 : i32
    %dma_wait3A_37 = arith.constant 0 : i32
    %dma_wait3A_38 = arith.constant 0 : i32
    %dma_wait3A_39 = tpu.memref_slice %arg6[%dma_wait3A_36, %dma_wait3A_37, %dma_wait3A_38] : memref<2x96x384xf32, #tpu.memory_space<vmem>> -> memref<1x96x384xf32, #tpu.memory_space<vmem>>
    %dma_wait3A_40 = tpu.memref_squeeze %dma_wait3A_39 : memref<1x96x384xf32, #tpu.memory_space<vmem>> -> memref<96x384xf32, #tpu.memory_space<vmem>>
    %dma_wait3A_41 = arith.constant 0 : i32
    %dma_wait3A_42 = tpu.memref_slice %arg5[%dma_wait3A_35, %dma_wait3A_41] : memref<2x96xi32, #tpu.memory_space<vmem>> -> memref<1x96xi32, #tpu.memory_space<vmem>>
    %dma_wait3A_43 = tpu.memref_squeeze %dma_wait3A_42 : memref<1x96xi32, #tpu.memory_space<vmem>> -> memref<96xi32, #tpu.memory_space<vmem>>
    %dma_wait3A_44 = arith.constant 0 : i32
    %dma_wait3A_45 = arith.constant 0 : i32
    %dma_wait3A_46 = tpu.memref_slice %arg2[%dma_wait3A_44, %dma_wait3A_45] : memref<3136x384xf32, #tpu.memory_space<hbm>> -> memref<3136x384xf32, #tpu.memory_space<hbm>>
    tpu.wait_indirect_dma semaphore(%arg7 : memref<!tpu.dma_semaphore, #tpu.memory_space<semaphore_mem>>) src(%dma_wait3A_46 : memref<3136x384xf32, #tpu.memory_space<hbm>>) dst(%dma_wait3A_40 : memref<96x384xf32, #tpu.memory_space<vmem>>)
    "tpu.region"() ({
      %run_scoped3A = tpu.sem_alloc : memref<!tpu.dma_semaphore, #tpu.memory_space<semaphore_mem>>
      %dma_start3A_47 = arith.constant 0 : i32
      %dma_start3A_48 = arith.constant 0 : i32
      %dma_start3A_49 = arith.constant 0 : i32
      %dma_start3A_50 = tpu.memref_slice %arg4[%add3A, %dma_start3A_47, %dma_start3A_48, %dma_start3A_49] : memref<32x2x96x384xf32, #tpu.memory_space<hbm>> -> memref<1x2x96x384xf32, #tpu.memory_space<hbm>>
      %dma_start3A_51 = tpu.memref_squeeze %dma_start3A_50 : memref<1x2x96x384xf32, #tpu.memory_space<hbm>> -> memref<2x96x384xf32, #tpu.memory_space<hbm>>
      %dma_start3A_52 = arith.constant 0 : i32
      %dma_start3A_53 = arith.constant 0 : i32
      %dma_start3A_54 = arith.constant 0 : i32
      %dma_start3A_55 = tpu.memref_slice %arg4[%add3A, %dma_start3A_52, %dma_start3A_53, %dma_start3A_54] : memref<32x2x96x384xf32, #tpu.memory_space<hbm>> -> memref<1x2x96x384xf32, #tpu.memory_space<hbm>>
      %dma_start3A_56 = tpu.memref_squeeze %dma_start3A_55 : memref<1x2x96x384xf32, #tpu.memory_space<hbm>> -> memref<2x96x384xf32, #tpu.memory_space<hbm>>
      tpu.enqueue_dma source(%arg6 : memref<2x96x384xf32, #tpu.memory_space<vmem>>) target(%dma_start3A_56 : memref<2x96x384xf32, #tpu.memory_space<hbm>>) target_semaphore(%run_scoped3A : memref<!tpu.dma_semaphore, #tpu.memory_space<semaphore_mem>>)
      %dma_wait3A_57 = arith.constant 0 : i32
      %dma_wait3A_58 = arith.constant 0 : i32
      %dma_wait3A_59 = arith.constant 0 : i32
      %dma_wait3A_60 = tpu.memref_slice %arg4[%add3A, %dma_wait3A_57, %dma_wait3A_58, %dma_wait3A_59] : memref<32x2x96x384xf32, #tpu.memory_space<hbm>> -> memref<1x2x96x384xf32, #tpu.memory_space<hbm>>
      %dma_wait3A_61 = tpu.memref_squeeze %dma_wait3A_60 : memref<1x2x96x384xf32, #tpu.memory_space<hbm>> -> memref<2x96x384xf32, #tpu.memory_space<hbm>>
      %dma_wait3A_62 = arith.constant 0 : i32
      %dma_wait3A_63 = arith.constant 0 : i32
      %dma_wait3A_64 = arith.constant 0 : i32
      %dma_wait3A_65 = tpu.memref_slice %arg4[%add3A, %dma_wait3A_62, %dma_wait3A_63, %dma_wait3A_64] : memref<32x2x96x384xf32, #tpu.memory_space<hbm>> -> memref<1x2x96x384xf32, #tpu.memory_space<hbm>>
      %dma_wait3A_66 = tpu.memref_squeeze %dma_wait3A_65 : memref<1x2x96x384xf32, #tpu.memory_space<hbm>> -> memref<2x96x384xf32, #tpu.memory_space<hbm>>
      tpu.wait_dma2 semaphore(%run_scoped3A : memref<!tpu.dma_semaphore, #tpu.memory_space<semaphore_mem>>) src(%arg6 : memref<2x96x384xf32, #tpu.memory_space<vmem>>) dst(%dma_wait3A_66 : memref<2x96x384xf32, #tpu.memory_space<hbm>>)
      tpu.yield
    }) : () -> ()
    return
  }
}

module attributes {stable_mosaic.version = 14 : i64} {
  func.func @_sample_body(%arg0: i32, %arg1: memref<1x1x2xi32, #tpu.memory_space<smem>>, %arg2: memref<196x3136xf32, #tpu.memory_space<vmem>>, %arg3: memref<1x1x196xi32, #tpu.memory_space<vmem>>) attributes {dimension_semantics = [#tpu.dimension_semantics<arbitrary>], iteration_bounds = array<i64: 30>, scalar_prefetch = 0 : i64, scratch_operands = 0 : i64, tpu.core_type = #tpu.core_type<tc>, window_params = [{transform_indices = @transform_0, window_bounds = array<i64: 1, 1, 2>}, {pipeline_mode = #tpu.pipeline_mode<synchronous>, transform_indices = @transform_1, window_bounds = array<i64: 196, 3136>}, {transform_indices = @transform_2, window_bounds = array<i64: 1, 1, 196>}]} {
    %get3A = arith.constant 0 : index
    %get3A_0 = arith.constant 0 : index
    %get3A_1 = arith.constant 0 : index
    %get3A_2 = memref.load %arg1[%get3A, %get3A_0, %get3A_1] : memref<1x1x2xi32, #tpu.memory_space<smem>>
    %get3A_3 = arith.constant 0 : index
    %get3A_4 = arith.constant 0 : index
    %get3A_5 = arith.constant 1 : index
    %get3A_6 = memref.load %arg1[%get3A_3, %get3A_4, %get3A_5] : memref<1x1x2xi32, #tpu.memory_space<smem>>
    %xor3A = arith.xori %get3A_2, %get3A_6 : i32
    %xor3A_7 = arith.constant 466688986 : i32
    %xor3A_8 = arith.xori %xor3A, %xor3A_7 : i32
    %iota3A = tpu.iota {dimensions = array<i32: 0>} : vector<196x3136xi32>
    %mul3A = arith.constant 3136 : i32
    %mul3A_9 = vector.broadcast %mul3A : i32 to vector<196x3136xi32>
    %mul3A_10 = arith.muli %iota3A, %mul3A_9 : vector<196x3136xi32>
    %iota3A_11 = tpu.iota {dimensions = array<i32: 1>} : vector<196x3136xi32>
    %add3A = arith.addi %mul3A_10, %iota3A_11 : vector<196x3136xi32>
    %broadcast_in_dim3A = arith.constant 0 : i32
    %broadcast_in_dim3A_12 = vector.broadcast %broadcast_in_dim3A : i32 to vector<196x3136xi32>
    %add3A_13 = vector.broadcast %get3A_2 : i32 to vector<196x3136xi32>
    %add3A_14 = arith.addi %broadcast_in_dim3A_12, %add3A_13 : vector<196x3136xi32>
    %add3A_15 = vector.broadcast %get3A_6 : i32 to vector<196x3136xi32>
    %add3A_16 = arith.addi %add3A, %add3A_15 : vector<196x3136xi32>
    %add3A_17 = arith.addi %add3A_14, %add3A_16 : vector<196x3136xi32>
    %shift_left3A = arith.constant 13 : i32
    %shift_left3A_18 = vector.broadcast %shift_left3A : i32 to vector<196x3136xi32>
    %shift_left3A_19 = arith.shli %add3A_16, %shift_left3A_18 : vector<196x3136xi32>
    %shift_right_logical3A = arith.constant 19 : i32
    %shift_right_logical3A_20 = vector.broadcast %shift_right_logical3A : i32 to vector<196x3136xi32>
    %shift_right_logical3A_21 = arith.shrui %add3A_16, %shift_right_logical3A_20 : vector<196x3136xi32>
    %or3A = arith.ori %shift_left3A_19, %shift_right_logical3A_21 : vector<196x3136xi32>
    %xor3A_22 = arith.xori %or3A, %add3A_17 : vector<196x3136xi32>
    %add3A_23 = arith.addi %add3A_17, %xor3A_22 : vector<196x3136xi32>
    %shift_left3A_24 = arith.constant 15 : i32
    %shift_left3A_25 = vector.broadcast %shift_left3A_24 : i32 to vector<196x3136xi32>
    %shift_left3A_26 = arith.shli %xor3A_22, %shift_left3A_25 : vector<196x3136xi32>
    %shift_right_logical3A_27 = arith.constant 17 : i32
    %shift_right_logical3A_28 = vector.broadcast %shift_right_logical3A_27 : i32 to vector<196x3136xi32>
    %shift_right_logical3A_29 = arith.shrui %xor3A_22, %shift_right_logical3A_28 : vector<196x3136xi32>
    %or3A_30 = arith.ori %shift_left3A_26, %shift_right_logical3A_29 : vector<196x3136xi32>
    %xor3A_31 = arith.xori %or3A_30, %add3A_23 : vector<196x3136xi32>
    %add3A_32 = arith.addi %add3A_23, %xor3A_31 : vector<196x3136xi32>
    %shift_left3A_33 = arith.constant 26 : i32
    %shift_left3A_34 = vector.broadcast %shift_left3A_33 : i32 to vector<196x3136xi32>
    %shift_left3A_35 = arith.shli %xor3A_31, %shift_left3A_34 : vector<196x3136xi32>
    %shift_right_logical3A_36 = arith.constant 6 : i32
    %shift_right_logical3A_37 = vector.broadcast %shift_right_logical3A_36 : i32 to vector<196x3136xi32>
    %shift_right_logical3A_38 = arith.shrui %xor3A_31, %shift_right_logical3A_37 : vector<196x3136xi32>
    %or3A_39 = arith.ori %shift_left3A_35, %shift_right_logical3A_38 : vector<196x3136xi32>
    %xor3A_40 = arith.xori %or3A_39, %add3A_32 : vector<196x3136xi32>
    %add3A_41 = arith.addi %add3A_32, %xor3A_40 : vector<196x3136xi32>
    %shift_left3A_42 = arith.constant 6 : i32
    %shift_left3A_43 = vector.broadcast %shift_left3A_42 : i32 to vector<196x3136xi32>
    %shift_left3A_44 = arith.shli %xor3A_40, %shift_left3A_43 : vector<196x3136xi32>
    %shift_right_logical3A_45 = arith.constant 26 : i32
    %shift_right_logical3A_46 = vector.broadcast %shift_right_logical3A_45 : i32 to vector<196x3136xi32>
    %shift_right_logical3A_47 = arith.shrui %xor3A_40, %shift_right_logical3A_46 : vector<196x3136xi32>
    %or3A_48 = arith.ori %shift_left3A_44, %shift_right_logical3A_47 : vector<196x3136xi32>
    %xor3A_49 = arith.xori %or3A_48, %add3A_41 : vector<196x3136xi32>
    %add3A_50 = vector.broadcast %get3A_6 : i32 to vector<196x3136xi32>
    %add3A_51 = arith.addi %add3A_41, %add3A_50 : vector<196x3136xi32>
    %add3A_52 = vector.broadcast %xor3A_8 : i32 to vector<196x3136xi32>
    %add3A_53 = arith.addi %xor3A_49, %add3A_52 : vector<196x3136xi32>
    %add3A_54 = arith.constant 1 : i32
    %add3A_55 = vector.broadcast %add3A_54 : i32 to vector<196x3136xi32>
    %add3A_56 = arith.addi %add3A_53, %add3A_55 : vector<196x3136xi32>
    %add3A_57 = arith.addi %add3A_51, %add3A_56 : vector<196x3136xi32>
    %shift_left3A_58 = arith.constant 17 : i32
    %shift_left3A_59 = vector.broadcast %shift_left3A_58 : i32 to vector<196x3136xi32>
    %shift_left3A_60 = arith.shli %add3A_56, %shift_left3A_59 : vector<196x3136xi32>
    %shift_right_logical3A_61 = arith.constant 15 : i32
    %shift_right_logical3A_62 = vector.broadcast %shift_right_logical3A_61 : i32 to vector<196x3136xi32>
    %shift_right_logical3A_63 = arith.shrui %add3A_56, %shift_right_logical3A_62 : vector<196x3136xi32>
    %or3A_64 = arith.ori %shift_left3A_60, %shift_right_logical3A_63 : vector<196x3136xi32>
    %xor3A_65 = arith.xori %or3A_64, %add3A_57 : vector<196x3136xi32>
    %add3A_66 = arith.addi %add3A_57, %xor3A_65 : vector<196x3136xi32>
    %shift_left3A_67 = arith.constant 29 : i32
    %shift_left3A_68 = vector.broadcast %shift_left3A_67 : i32 to vector<196x3136xi32>
    %shift_left3A_69 = arith.shli %xor3A_65, %shift_left3A_68 : vector<196x3136xi32>
    %shift_right_logical3A_70 = arith.constant 3 : i32
    %shift_right_logical3A_71 = vector.broadcast %shift_right_logical3A_70 : i32 to vector<196x3136xi32>
    %shift_right_logical3A_72 = arith.shrui %xor3A_65, %shift_right_logical3A_71 : vector<196x3136xi32>
    %or3A_73 = arith.ori %shift_left3A_69, %shift_right_logical3A_72 : vector<196x3136xi32>
    %xor3A_74 = arith.xori %or3A_73, %add3A_66 : vector<196x3136xi32>
    %add3A_75 = arith.addi %add3A_66, %xor3A_74 : vector<196x3136xi32>
    %shift_left3A_76 = arith.constant 16 : i32
    %shift_left3A_77 = vector.broadcast %shift_left3A_76 : i32 to vector<196x3136xi32>
    %shift_left3A_78 = arith.shli %xor3A_74, %shift_left3A_77 : vector<196x3136xi32>
    %shift_right_logical3A_79 = arith.constant 16 : i32
    %shift_right_logical3A_80 = vector.broadcast %shift_right_logical3A_79 : i32 to vector<196x3136xi32>
    %shift_right_logical3A_81 = arith.shrui %xor3A_74, %shift_right_logical3A_80 : vector<196x3136xi32>
    %or3A_82 = arith.ori %shift_left3A_78, %shift_right_logical3A_81 : vector<196x3136xi32>
    %xor3A_83 = arith.xori %or3A_82, %add3A_75 : vector<196x3136xi32>
    %add3A_84 = arith.addi %add3A_75, %xor3A_83 : vector<196x3136xi32>
    %shift_left3A_85 = arith.constant 24 : i32
    %shift_left3A_86 = vector.broadcast %shift_left3A_85 : i32 to vector<196x3136xi32>
    %shift_left3A_87 = arith.shli %xor3A_83, %shift_left3A_86 : vector<196x3136xi32>
    %shift_right_logical3A_88 = arith.constant 8 : i32
    %shift_right_logical3A_89 = vector.broadcast %shift_right_logical3A_88 : i32 to vector<196x3136xi32>
    %shift_right_logical3A_90 = arith.shrui %xor3A_83, %shift_right_logical3A_89 : vector<196x3136xi32>
    %or3A_91 = arith.ori %shift_left3A_87, %shift_right_logical3A_90 : vector<196x3136xi32>
    %xor3A_92 = arith.xori %or3A_91, %add3A_84 : vector<196x3136xi32>
    %add3A_93 = vector.broadcast %xor3A_8 : i32 to vector<196x3136xi32>
    %add3A_94 = arith.addi %add3A_84, %add3A_93 : vector<196x3136xi32>
    %add3A_95 = vector.broadcast %get3A_2 : i32 to vector<196x3136xi32>
    %add3A_96 = arith.addi %xor3A_92, %add3A_95 : vector<196x3136xi32>
    %add3A_97 = arith.constant 2 : i32
    %add3A_98 = vector.broadcast %add3A_97 : i32 to vector<196x3136xi32>
    %add3A_99 = arith.addi %add3A_96, %add3A_98 : vector<196x3136xi32>
    %add3A_100 = arith.addi %add3A_94, %add3A_99 : vector<196x3136xi32>
    %shift_left3A_101 = arith.constant 13 : i32
    %shift_left3A_102 = vector.broadcast %shift_left3A_101 : i32 to vector<196x3136xi32>
    %shift_left3A_103 = arith.shli %add3A_99, %shift_left3A_102 : vector<196x3136xi32>
    %shift_right_logical3A_104 = arith.constant 19 : i32
    %shift_right_logical3A_105 = vector.broadcast %shift_right_logical3A_104 : i32 to vector<196x3136xi32>
    %shift_right_logical3A_106 = arith.shrui %add3A_99, %shift_right_logical3A_105 : vector<196x3136xi32>
    %or3A_107 = arith.ori %shift_left3A_103, %shift_right_logical3A_106 : vector<196x3136xi32>
    %xor3A_108 = arith.xori %or3A_107, %add3A_100 : vector<196x3136xi32>
    %add3A_109 = arith.addi %add3A_100, %xor3A_108 : vector<196x3136xi32>
    %shift_left3A_110 = arith.constant 15 : i32
    %shift_left3A_111 = vector.broadcast %shift_left3A_110 : i32 to vector<196x3136xi32>
    %shift_left3A_112 = arith.shli %xor3A_108, %shift_left3A_111 : vector<196x3136xi32>
    %shift_right_logical3A_113 = arith.constant 17 : i32
    %shift_right_logical3A_114 = vector.broadcast %shift_right_logical3A_113 : i32 to vector<196x3136xi32>
    %shift_right_logical3A_115 = arith.shrui %xor3A_108, %shift_right_logical3A_114 : vector<196x3136xi32>
    %or3A_116 = arith.ori %shift_left3A_112, %shift_right_logical3A_115 : vector<196x3136xi32>
    %xor3A_117 = arith.xori %or3A_116, %add3A_109 : vector<196x3136xi32>
    %add3A_118 = arith.addi %add3A_109, %xor3A_117 : vector<196x3136xi32>
    %shift_left3A_119 = arith.constant 26 : i32
    %shift_left3A_120 = vector.broadcast %shift_left3A_119 : i32 to vector<196x3136xi32>
    %shift_left3A_121 = arith.shli %xor3A_117, %shift_left3A_120 : vector<196x3136xi32>
    %shift_right_logical3A_122 = arith.constant 6 : i32
    %shift_right_logical3A_123 = vector.broadcast %shift_right_logical3A_122 : i32 to vector<196x3136xi32>
    %shift_right_logical3A_124 = arith.shrui %xor3A_117, %shift_right_logical3A_123 : vector<196x3136xi32>
    %or3A_125 = arith.ori %shift_left3A_121, %shift_right_logical3A_124 : vector<196x3136xi32>
    %xor3A_126 = arith.xori %or3A_125, %add3A_118 : vector<196x3136xi32>
    %add3A_127 = arith.addi %add3A_118, %xor3A_126 : vector<196x3136xi32>
    %shift_left3A_128 = arith.constant 6 : i32
    %shift_left3A_129 = vector.broadcast %shift_left3A_128 : i32 to vector<196x3136xi32>
    %shift_left3A_130 = arith.shli %xor3A_126, %shift_left3A_129 : vector<196x3136xi32>
    %shift_right_logical3A_131 = arith.constant 26 : i32
    %shift_right_logical3A_132 = vector.broadcast %shift_right_logical3A_131 : i32 to vector<196x3136xi32>
    %shift_right_logical3A_133 = arith.shrui %xor3A_126, %shift_right_logical3A_132 : vector<196x3136xi32>
    %or3A_134 = arith.ori %shift_left3A_130, %shift_right_logical3A_133 : vector<196x3136xi32>
    %xor3A_135 = arith.xori %or3A_134, %add3A_127 : vector<196x3136xi32>
    %add3A_136 = vector.broadcast %get3A_2 : i32 to vector<196x3136xi32>
    %add3A_137 = arith.addi %add3A_127, %add3A_136 : vector<196x3136xi32>
    %add3A_138 = vector.broadcast %get3A_6 : i32 to vector<196x3136xi32>
    %add3A_139 = arith.addi %xor3A_135, %add3A_138 : vector<196x3136xi32>
    %add3A_140 = arith.constant 3 : i32
    %add3A_141 = vector.broadcast %add3A_140 : i32 to vector<196x3136xi32>
    %add3A_142 = arith.addi %add3A_139, %add3A_141 : vector<196x3136xi32>
    %add3A_143 = arith.addi %add3A_137, %add3A_142 : vector<196x3136xi32>
    %shift_left3A_144 = arith.constant 17 : i32
    %shift_left3A_145 = vector.broadcast %shift_left3A_144 : i32 to vector<196x3136xi32>
    %shift_left3A_146 = arith.shli %add3A_142, %shift_left3A_145 : vector<196x3136xi32>
    %shift_right_logical3A_147 = arith.constant 15 : i32
    %shift_right_logical3A_148 = vector.broadcast %shift_right_logical3A_147 : i32 to vector<196x3136xi32>
    %shift_right_logical3A_149 = arith.shrui %add3A_142, %shift_right_logical3A_148 : vector<196x3136xi32>
    %or3A_150 = arith.ori %shift_left3A_146, %shift_right_logical3A_149 : vector<196x3136xi32>
    %xor3A_151 = arith.xori %or3A_150, %add3A_143 : vector<196x3136xi32>
    %add3A_152 = arith.addi %add3A_143, %xor3A_151 : vector<196x3136xi32>
    %shift_left3A_153 = arith.constant 29 : i32
    %shift_left3A_154 = vector.broadcast %shift_left3A_153 : i32 to vector<196x3136xi32>
    %shift_left3A_155 = arith.shli %xor3A_151, %shift_left3A_154 : vector<196x3136xi32>
    %shift_right_logical3A_156 = arith.constant 3 : i32
    %shift_right_logical3A_157 = vector.broadcast %shift_right_logical3A_156 : i32 to vector<196x3136xi32>
    %shift_right_logical3A_158 = arith.shrui %xor3A_151, %shift_right_logical3A_157 : vector<196x3136xi32>
    %or3A_159 = arith.ori %shift_left3A_155, %shift_right_logical3A_158 : vector<196x3136xi32>
    %xor3A_160 = arith.xori %or3A_159, %add3A_152 : vector<196x3136xi32>
    %add3A_161 = arith.addi %add3A_152, %xor3A_160 : vector<196x3136xi32>
    %shift_left3A_162 = arith.constant 16 : i32
    %shift_left3A_163 = vector.broadcast %shift_left3A_162 : i32 to vector<196x3136xi32>
    %shift_left3A_164 = arith.shli %xor3A_160, %shift_left3A_163 : vector<196x3136xi32>
    %shift_right_logical3A_165 = arith.constant 16 : i32
    %shift_right_logical3A_166 = vector.broadcast %shift_right_logical3A_165 : i32 to vector<196x3136xi32>
    %shift_right_logical3A_167 = arith.shrui %xor3A_160, %shift_right_logical3A_166 : vector<196x3136xi32>
    %or3A_168 = arith.ori %shift_left3A_164, %shift_right_logical3A_167 : vector<196x3136xi32>
    %xor3A_169 = arith.xori %or3A_168, %add3A_161 : vector<196x3136xi32>
    %add3A_170 = arith.addi %add3A_161, %xor3A_169 : vector<196x3136xi32>
    %shift_left3A_171 = arith.constant 24 : i32
    %shift_left3A_172 = vector.broadcast %shift_left3A_171 : i32 to vector<196x3136xi32>
    %shift_left3A_173 = arith.shli %xor3A_169, %shift_left3A_172 : vector<196x3136xi32>
    %shift_right_logical3A_174 = arith.constant 8 : i32
    %shift_right_logical3A_175 = vector.broadcast %shift_right_logical3A_174 : i32 to vector<196x3136xi32>
    %shift_right_logical3A_176 = arith.shrui %xor3A_169, %shift_right_logical3A_175 : vector<196x3136xi32>
    %or3A_177 = arith.ori %shift_left3A_173, %shift_right_logical3A_176 : vector<196x3136xi32>
    %xor3A_178 = arith.xori %or3A_177, %add3A_170 : vector<196x3136xi32>
    %add3A_179 = vector.broadcast %get3A_6 : i32 to vector<196x3136xi32>
    %add3A_180 = arith.addi %add3A_170, %add3A_179 : vector<196x3136xi32>
    %add3A_181 = vector.broadcast %xor3A_8 : i32 to vector<196x3136xi32>
    %add3A_182 = arith.addi %xor3A_178, %add3A_181 : vector<196x3136xi32>
    %add3A_183 = arith.constant 4 : i32
    %add3A_184 = vector.broadcast %add3A_183 : i32 to vector<196x3136xi32>
    %add3A_185 = arith.addi %add3A_182, %add3A_184 : vector<196x3136xi32>
    %add3A_186 = arith.addi %add3A_180, %add3A_185 : vector<196x3136xi32>
    %shift_left3A_187 = arith.constant 13 : i32
    %shift_left3A_188 = vector.broadcast %shift_left3A_187 : i32 to vector<196x3136xi32>
    %shift_left3A_189 = arith.shli %add3A_185, %shift_left3A_188 : vector<196x3136xi32>
    %shift_right_logical3A_190 = arith.constant 19 : i32
    %shift_right_logical3A_191 = vector.broadcast %shift_right_logical3A_190 : i32 to vector<196x3136xi32>
    %shift_right_logical3A_192 = arith.shrui %add3A_185, %shift_right_logical3A_191 : vector<196x3136xi32>
    %or3A_193 = arith.ori %shift_left3A_189, %shift_right_logical3A_192 : vector<196x3136xi32>
    %xor3A_194 = arith.xori %or3A_193, %add3A_186 : vector<196x3136xi32>
    %add3A_195 = arith.addi %add3A_186, %xor3A_194 : vector<196x3136xi32>
    %shift_left3A_196 = arith.constant 15 : i32
    %shift_left3A_197 = vector.broadcast %shift_left3A_196 : i32 to vector<196x3136xi32>
    %shift_left3A_198 = arith.shli %xor3A_194, %shift_left3A_197 : vector<196x3136xi32>
    %shift_right_logical3A_199 = arith.constant 17 : i32
    %shift_right_logical3A_200 = vector.broadcast %shift_right_logical3A_199 : i32 to vector<196x3136xi32>
    %shift_right_logical3A_201 = arith.shrui %xor3A_194, %shift_right_logical3A_200 : vector<196x3136xi32>
    %or3A_202 = arith.ori %shift_left3A_198, %shift_right_logical3A_201 : vector<196x3136xi32>
    %xor3A_203 = arith.xori %or3A_202, %add3A_195 : vector<196x3136xi32>
    %add3A_204 = arith.addi %add3A_195, %xor3A_203 : vector<196x3136xi32>
    %shift_left3A_205 = arith.constant 26 : i32
    %shift_left3A_206 = vector.broadcast %shift_left3A_205 : i32 to vector<196x3136xi32>
    %shift_left3A_207 = arith.shli %xor3A_203, %shift_left3A_206 : vector<196x3136xi32>
    %shift_right_logical3A_208 = arith.constant 6 : i32
    %shift_right_logical3A_209 = vector.broadcast %shift_right_logical3A_208 : i32 to vector<196x3136xi32>
    %shift_right_logical3A_210 = arith.shrui %xor3A_203, %shift_right_logical3A_209 : vector<196x3136xi32>
    %or3A_211 = arith.ori %shift_left3A_207, %shift_right_logical3A_210 : vector<196x3136xi32>
    %xor3A_212 = arith.xori %or3A_211, %add3A_204 : vector<196x3136xi32>
    %add3A_213 = arith.addi %add3A_204, %xor3A_212 : vector<196x3136xi32>
    %shift_left3A_214 = arith.constant 6 : i32
    %shift_left3A_215 = vector.broadcast %shift_left3A_214 : i32 to vector<196x3136xi32>
    %shift_left3A_216 = arith.shli %xor3A_212, %shift_left3A_215 : vector<196x3136xi32>
    %shift_right_logical3A_217 = arith.constant 26 : i32
    %shift_right_logical3A_218 = vector.broadcast %shift_right_logical3A_217 : i32 to vector<196x3136xi32>
    %shift_right_logical3A_219 = arith.shrui %xor3A_212, %shift_right_logical3A_218 : vector<196x3136xi32>
    %or3A_220 = arith.ori %shift_left3A_216, %shift_right_logical3A_219 : vector<196x3136xi32>
    %xor3A_221 = arith.xori %or3A_220, %add3A_213 : vector<196x3136xi32>
    %add3A_222 = vector.broadcast %xor3A_8 : i32 to vector<196x3136xi32>
    %add3A_223 = arith.addi %add3A_213, %add3A_222 : vector<196x3136xi32>
    %add3A_224 = vector.broadcast %get3A_2 : i32 to vector<196x3136xi32>
    %add3A_225 = arith.addi %xor3A_221, %add3A_224 : vector<196x3136xi32>
    %add3A_226 = arith.constant 5 : i32
    %add3A_227 = vector.broadcast %add3A_226 : i32 to vector<196x3136xi32>
    %add3A_228 = arith.addi %add3A_225, %add3A_227 : vector<196x3136xi32>
    %xor3A_229 = arith.xori %add3A_223, %add3A_228 : vector<196x3136xi32>
    %shift_right_logical3A_230 = arith.constant 9 : i32
    %shift_right_logical3A_231 = vector.broadcast %shift_right_logical3A_230 : i32 to vector<196x3136xi32>
    %shift_right_logical3A_232 = arith.shrui %xor3A_229, %shift_right_logical3A_231 : vector<196x3136xi32>
    %or3A_233 = arith.constant 1065353216 : i32
    %or3A_234 = vector.broadcast %or3A_233 : i32 to vector<196x3136xi32>
    %or3A_235 = arith.ori %shift_right_logical3A_232, %or3A_234 : vector<196x3136xi32>
    %bitcast_convert_type3A = tpu.bitcast %or3A_235 : vector<196x3136xi32> -> vector<196x3136xf32>
    %sub3A = arith.constant 1.000000e+00 : f32
    %sub3A_236 = vector.broadcast %sub3A : f32 to vector<196x3136xf32>
    %sub3A_237 = arith.subf %bitcast_convert_type3A, %sub3A_236 : vector<196x3136xf32>
    %sub3A_238 = arith.constant 1.000000e+00 : f32
    %sub3A_239 = arith.constant 1.17549435E-38 : f32
    %sub3A_240 = arith.subf %sub3A_238, %sub3A_239 : f32
    %mul3A_241 = vector.broadcast %sub3A_240 : f32 to vector<196x3136xf32>
    %mul3A_242 = arith.mulf %sub3A_237, %mul3A_241 : vector<196x3136xf32>
    %add3A_243 = arith.constant 1.17549435E-38 : f32
    %add3A_244 = vector.broadcast %add3A_243 : f32 to vector<196x3136xf32>
    %add3A_245 = arith.addf %mul3A_242, %add3A_244 : vector<196x3136xf32>
    %max3A = arith.constant 1.17549435E-38 : f32
    %max3A_246 = vector.broadcast %max3A : f32 to vector<196x3136xf32>
    %max3A_247 = arith.maximumf %max3A_246, %add3A_245 : vector<196x3136xf32>
    %log3A = math.log %max3A_247 : vector<196x3136xf32>
    %neg3A = arith.constant 0.000000e+00 : f32
    %neg3A_248 = vector.broadcast %neg3A : f32 to vector<196x3136xf32>
    %neg3A_249 = arith.subf %neg3A_248, %log3A : vector<196x3136xf32>
    %log3A_250 = math.log %neg3A_249 : vector<196x3136xf32>
    %neg3A_251 = arith.constant 0.000000e+00 : f32
    %neg3A_252 = vector.broadcast %neg3A_251 : f32 to vector<196x3136xf32>
    %neg3A_253 = arith.subf %neg3A_252, %log3A_250 : vector<196x3136xf32>
    %get3A_254 = arith.constant 0 : index
    %get3A_255 = arith.constant 0 : index
    %get3A_256 = vector.load %arg2[%get3A_254, %get3A_255] : memref<196x3136xf32, #tpu.memory_space<vmem>>, vector<196x3136xf32>
    %add3A_257 = arith.addf %neg3A_253, %get3A_256 : vector<196x3136xf32>
    %reduce_max3A = arith.constant dense<0xFF800000> : vector<196xf32>
    %reduce_max3A_258 = vector.multi_reduction <maximumf>, %add3A_257, %reduce_max3A [1] : vector<196x3136xf32> to vector<196xf32>
    %broadcast_in_dim3A_259 = vector.shape_cast %reduce_max3A_258 : vector<196xf32> to vector<196x1xf32>
    %iota3A_260 = tpu.iota {dimensions = array<i32: 1>} : vector<196x3136xi32>
    %eq3A = vector.broadcast %broadcast_in_dim3A_259 : vector<196x1xf32> to vector<196x3136xf32>
    %eq3A_261 = arith.cmpf oeq, %add3A_257, %eq3A : vector<196x3136xf32>
    %jit3A = arith.constant 2147483647 : i32
    %broadcast_in_dim3A_262 = vector.broadcast %jit3A : i32 to vector<196x3136xi32>
    %select_n3A = arith.select %eq3A_261, %iota3A_260, %broadcast_in_dim3A_262 : vector<196x3136xi1>, vector<196x3136xi32>
    %reduce_min3A = arith.constant dense<2147483647> : vector<196xi32>
    %reduce_min3A_263 = vector.multi_reduction <minsi>, %select_n3A, %reduce_min3A [1] : vector<196x3136xi32> to vector<196xi32>
    %swap3A = arith.constant 0 : index
    %swap3A_264 = arith.constant 0 : index
    %swap3A_265 = arith.constant 0 : index
    %swap3A_266 = vector.load %arg3[%swap3A, %swap3A_264, %swap3A_265] : memref<1x1x196xi32, #tpu.memory_space<vmem>>, vector<1x1x196xi32>
    %swap3A_267 = vector.shape_cast %swap3A_266 : vector<1x1x196xi32> to vector<196xi32>
    %swap3A_268 = vector.shape_cast %reduce_min3A_263 : vector<196xi32> to vector<1x1x196xi32>
    tpu.vector_store %arg3[%swap3A, %swap3A_264, %swap3A_265], %swap3A_268 {strides = array<i32>} : memref<1x1x196xi32, #tpu.memory_space<vmem>>, vector<1x1x196xi32>,
    return
  }
  func.func @transform_0(%arg0: i32) -> (i32, i32, i32) {
    %c0_i32 = arith.constant 0 : i32
    %c0_i32_0 = arith.constant 0 : i32
    %c0_i32_1 = arith.constant 0 : i32
    return %arg0, %c0_i32, %c0_i32_0 : i32, i32, i32
  }
  func.func @transform_1(%arg0: i32) -> (i32, i32) {
    %c0_i32 = arith.constant 0 : i32
    %c0_i32_0 = arith.constant 0 : i32
    %c0_i32_1 = arith.constant 0 : i32
    return %c0_i32, %c0_i32_0 : i32, i32
  }
  func.func @transform_2(%arg0: i32) -> (i32, i32, i32) {
    %c0_i32 = arith.constant 0 : i32
    %c0_i32_0 = arith.constant 0 : i32
    %c0_i32_1 = arith.constant 0 : i32
    return %arg0, %c0_i32, %c0_i32_0 : i32, i32, i32
  }
}

module attributes {stable_mosaic.version = 14 : i64} {
  func.func @_bias_body(%arg0: i32, %arg1: memref<448x196xf32, #tpu.memory_space<vmem>>, %arg2: memref<448x196xf32, #tpu.memory_space<vmem>>) attributes {dimension_semantics = [#tpu.dimension_semantics<arbitrary>], iteration_bounds = array<i64: 7>, scalar_prefetch = 0 : i64, scratch_operands = 0 : i64, tpu.core_type = #tpu.core_type<tc>, window_params = [{transform_indices = @transform_0, window_bounds = array<i64: 448, 196>}, {transform_indices = @transform_1, window_bounds = array<i64: 448, 196>}]} {
    %get3A = arith.constant 0 : index
    %get3A_0 = arith.constant 0 : index
    %get3A_1 = vector.load %arg1[%get3A, %get3A_0] : memref<448x196xf32, #tpu.memory_space<vmem>>, vector<448x196xf32>
    %bitcast_convert_type3A = tpu.bitcast %get3A_1 : vector<448x196xf32> -> vector<448x196xi32>
    %broadcast_in_dim3A = arith.constant -1 : i32
    %broadcast_in_dim3A_2 = vector.broadcast %broadcast_in_dim3A : i32 to vector<448x1xi32>
    %broadcast_in_dim3A_3 = arith.constant 2139095040 : i32
    %broadcast_in_dim3A_4 = vector.broadcast %broadcast_in_dim3A_3 : i32 to vector<448x1xi32>
    %scan3A = arith.constant 0 : i32
    %scan3A_5 = arith.constant 31 : i32
    %scan3A_6 = arith.addi %scan3A, %scan3A_5 : i32
    %scan3A_7 = arith.constant 1 : i32
    %scan3A_8:2 = scf.for %scan3A_31 = %scan3A to %scan3A_6 step %scan3A_7 iter_args(%scan3A_32 = %broadcast_in_dim3A_2, %scan3A_33 = %broadcast_in_dim3A_4) -> (vector<448x1xi32>, vector<448x1xi32>)  : i32 {
      %sub3A_34 = arith.subi %scan3A_33, %scan3A_32 : vector<448x1xi32>
      %jit3A_35 = arith.constant 2 : i32
      %div3A = vector.broadcast %jit3A_35 : i32 to vector<448x1xi32>
      %div3A_36 = arith.divsi %sub3A_34, %div3A : vector<448x1xi32>
      %sign3A = arith.constant 0 : i32
      %sign3A_37 = vector.broadcast %sign3A : i32 to vector<448x1xi32>
      %sign3A_38 = arith.cmpi sgt, %sub3A_34, %sign3A_37 : vector<448x1xi32>
      %sign3A_39 = arith.extui %sign3A_38 : vector<448x1xi1> to vector<448x1xi32>
      %sign3A_40 = arith.constant 0 : i32
      %sign3A_41 = vector.broadcast %sign3A_40 : i32 to vector<448x1xi32>
      %sign3A_42 = arith.cmpi slt, %sub3A_34, %sign3A_41 : vector<448x1xi32>
      %sign3A_43 = arith.extui %sign3A_42 : vector<448x1xi1> to vector<448x1xi32>
      %sign3A_44 = arith.subi %sign3A_39, %sign3A_43 : vector<448x1xi32>
      %sign3A_45 = arith.constant 0 : i32
      %sign3A_46 = arith.cmpi sgt, %jit3A_35, %sign3A_45 : i32
      %sign3A_47 = arith.extui %sign3A_46 : i1 to i32
      %sign3A_48 = arith.constant 0 : i32
      %sign3A_49 = arith.cmpi slt, %jit3A_35, %sign3A_48 : i32
      %sign3A_50 = arith.extui %sign3A_49 : i1 to i32
      %sign3A_51 = arith.subi %sign3A_47, %sign3A_50 : i32
      %ne3A = vector.broadcast %sign3A_51 : i32 to vector<448x1xi32>
      %ne3A_52 = arith.cmpi ne, %sign3A_44, %ne3A : vector<448x1xi32>
      %rem3A = vector.broadcast %jit3A_35 : i32 to vector<448x1xi32>
      %rem3A_53 = arith.remsi %sub3A_34, %rem3A : vector<448x1xi32>
      %ne3A_54 = arith.constant 0 : i32
      %ne3A_55 = vector.broadcast %ne3A_54 : i32 to vector<448x1xi32>
      %ne3A_56 = arith.cmpi ne, %rem3A_53, %ne3A_55 : vector<448x1xi32>
      %and3A_57 = arith.andi %ne3A_52, %ne3A_56 : vector<448x1xi1>
      %sub3A_58 = arith.constant 1 : i32
      %sub3A_59 = vector.broadcast %sub3A_58 : i32 to vector<448x1xi32>
      %sub3A_60 = arith.subi %div3A_36, %sub3A_59 : vector<448x1xi32>
      %select_n3A_61 = arith.select %and3A_57, %sub3A_60, %div3A_36 : vector<448x1xi1>, vector<448x1xi32>
      %add3A_62 = arith.addi %scan3A_32, %select_n3A_61 : vector<448x1xi32>
      %gt3A_63 = vector.broadcast %add3A_62 : vector<448x1xi32> to vector<448x196xi32>
      %gt3A_64 = arith.cmpi sgt, %bitcast_convert_type3A, %gt3A_63 : vector<448x196xi32>
      %convert_element_type3A_65 = arith.extui %gt3A_64 : vector<448x196xi1> to vector<448x196xi32>
      %reduce_sum3A_66 = arith.constant dense<0> : vector<448xi32>
      %reduce_sum3A_67 = vector.multi_reduction <add>, %convert_element_type3A_65, %reduce_sum3A_66 [1] : vector<448x196xi32> to vector<448xi32>
      %broadcast_in_dim3A_68 = vector.shape_cast %reduce_sum3A_67 : vector<448xi32> to vector<448x1xi32>
      %ge3A = arith.constant 32 : i32
      %ge3A_69 = vector.broadcast %ge3A : i32 to vector<448x1xi32>
      %ge3A_70 = arith.cmpi sge, %broadcast_in_dim3A_68, %ge3A_69 : vector<448x1xi32>
      %select_n3A_71 = arith.select %ge3A_70, %add3A_62, %scan3A_32 : vector<448x1xi1>, vector<448x1xi32>
      %select_n3A_72 = arith.select %ge3A_70, %scan3A_33, %add3A_62 : vector<448x1xi1>, vector<448x1xi32>
      scf.yield %select_n3A_71, %select_n3A_72 : vector<448x1xi32>, vector<448x1xi32>
    }
    %gt3A = vector.broadcast %scan3A_8#1 : vector<448x1xi32> to vector<448x196xi32>
    %gt3A_9 = arith.cmpi sgt, %bitcast_convert_type3A, %gt3A : vector<448x196xi32>
    %convert_element_type3A = arith.extui %gt3A_9 : vector<448x196xi1> to vector<448x196xi32>
    %reduce_sum3A = arith.constant dense<0> : vector<448xi32>
    %reduce_sum3A_10 = vector.multi_reduction <add>, %convert_element_type3A, %reduce_sum3A [1] : vector<448x196xi32> to vector<448xi32>
    %broadcast_in_dim3A_11 = vector.shape_cast %reduce_sum3A_10 : vector<448xi32> to vector<448x1xi32>
    %eq3A = vector.broadcast %scan3A_8#1 : vector<448x1xi32> to vector<448x196xi32>
    %eq3A_12 = arith.cmpi eq, %bitcast_convert_type3A, %eq3A : vector<448x196xi32>
    %iota3A = tpu.iota {dimensions = array<i32: 0>} : vector<196x196xi32>
    %iota3A_13 = tpu.iota {dimensions = array<i32: 1>} : vector<196x196xi32>
    %lt3A = arith.cmpi slt, %iota3A, %iota3A_13 : vector<196x196xi32>
    %convert_element_type3A_14 = arith.extui %lt3A : vector<196x196xi1> to vector<196x196xi32>
    %convert_element_type3A_15 = arith.sitofp %convert_element_type3A_14 : vector<196x196xi32> to vector<196x196xf32>
    %convert_element_type3A_16 = arith.extui %eq3A_12 : vector<448x196xi1> to vector<448x196xi32>
    %convert_element_type3A_17 = arith.sitofp %convert_element_type3A_16 : vector<448x196xi32> to vector<448x196xf32>
    %dot_general3A = arith.constant dense<0.000000e+00> : vector<448x196xf32>
    %dot_general3A_18 = tpu.matmul %convert_element_type3A_17, %convert_element_type3A_15, %dot_general3A {dimension_numbers = #tpu.dot_dimension_numbers<[1], [0], [0], [1], [0, 0, 1, 1], [], []>, transpose_lhs_hint = false} : vector<448x196xf32>, vector<196x196xf32>, vector<448x196xf32> -> vector<448x196xf32>
    %gt3A_19 = vector.broadcast %scan3A_8#1 : vector<448x1xi32> to vector<448x196xi32>
    %gt3A_20 = arith.cmpi sgt, %bitcast_convert_type3A, %gt3A_19 : vector<448x196xi32>
    %sub3A = arith.constant 32 : i32
    %sub3A_21 = vector.broadcast %sub3A : i32 to vector<448x1xi32>
    %sub3A_22 = arith.subi %sub3A_21, %broadcast_in_dim3A_11 : vector<448x1xi32>
    %convert_element_type3A_23 = arith.sitofp %sub3A_22 : vector<448x1xi32> to vector<448x1xf32>
    %lt3A_24 = vector.broadcast %convert_element_type3A_23 : vector<448x1xf32> to vector<448x196xf32>
    %lt3A_25 = arith.cmpf olt, %dot_general3A_18, %lt3A_24 : vector<448x196xf32>
    %and3A = arith.andi %eq3A_12, %lt3A_25 : vector<448x196xi1>
    %or3A = arith.ori %gt3A_20, %and3A : vector<448x196xi1>
    %add3A = arith.constant 9.99999997E-7 : f32
    %add3A_26 = vector.broadcast %add3A : f32 to vector<448x196xf32>
    %add3A_27 = arith.addf %get3A_1, %add3A_26 : vector<448x196xf32>
    %log3A = math.log %add3A_27 : vector<448x196xf32>
    %jit3A = arith.constant -1.000000e+09 : f32
    %broadcast_in_dim3A_28 = vector.broadcast %jit3A : f32 to vector<448x196xf32>
    %select_n3A = arith.select %or3A, %log3A, %broadcast_in_dim3A_28 : vector<448x196xi1>, vector<448x196xf32>
    %swap3A = arith.constant 0 : index
    %swap3A_29 = arith.constant 0 : index
    %swap3A_30 = vector.load %arg2[%swap3A, %swap3A_29] : memref<448x196xf32, #tpu.memory_space<vmem>>, vector<448x196xf32>
    tpu.vector_store %arg2[%swap3A, %swap3A_29], %select_n3A {strides = array<i32>} : memref<448x196xf32, #tpu.memory_space<vmem>>, vector<448x196xf32>,
    return
  }
  func.func @transform_0(%arg0: i32) -> (i32, i32) {
    %c0_i32 = arith.constant 0 : i32
    %c0_i32_0 = arith.constant 0 : i32
    return %arg0, %c0_i32 : i32, i32
  }
  func.func @transform_1(%arg0: i32) -> (i32, i32) {
    %c0_i32 = arith.constant 0 : i32
    %c0_i32_0 = arith.constant 0 : i32
    return %arg0, %c0_i32 : i32, i32
  }
}

module attributes {stable_mosaic.version = 14 : i64} {
  func.func @_attn_body(%arg0: i32, %arg1: i32, %arg2: memref<448x384xbf16, #tpu.memory_space<vmem>>, %arg3: memref<1x196x384xbf16, #tpu.memory_space<vmem>>, %arg4: memref<448x196xf32, #tpu.memory_space<vmem>>, %arg5: memref<448x384xf32, #tpu.memory_space<vmem>>) attributes {dimension_semantics = [#tpu.dimension_semantics<arbitrary>, #tpu.dimension_semantics<arbitrary>], iteration_bounds = array<i64: 7, 30>, scalar_prefetch = 0 : i64, scratch_operands = 0 : i64, tpu.core_type = #tpu.core_type<tc>, window_params = [{transform_indices = @transform_0, window_bounds = array<i64: 448, 384>}, {transform_indices = @transform_1, window_bounds = array<i64: 1, 196, 384>}, {transform_indices = @transform_2, window_bounds = array<i64: 448, 196>}, {transform_indices = @transform_3, window_bounds = array<i64: 448, 384>}]} {
    %get3A = arith.constant 0 : index
    %get3A_0 = arith.constant 0 : index
    %get3A_1 = vector.load %arg2[%get3A, %get3A_0] : memref<448x384xbf16, #tpu.memory_space<vmem>>, vector<448x384xbf16>
    %get3A_2 = arith.constant 0 : index
    %get3A_3 = arith.constant 0 : index
    %get3A_4 = arith.constant 0 : index
    %get3A_5 = vector.load %arg3[%get3A_2, %get3A_3, %get3A_4] : memref<1x196x384xbf16, #tpu.memory_space<vmem>>, vector<1x196x384xbf16>
    %get3A_6 = vector.shape_cast %get3A_5 : vector<1x196x384xbf16> to vector<196x384xbf16>
    %dot_general3A = arith.constant dense<0.000000e+00> : vector<448x196xf32>
    %dot_general3A_7 = tpu.matmul %get3A_1, %get3A_6, %dot_general3A {dimension_numbers = #tpu.dot_dimension_numbers<[1], [1], [0], [0], [0, 0, 1, 0], [], []>, transpose_lhs_hint = false} : vector<448x384xbf16>, vector<196x384xbf16>, vector<448x196xf32> -> vector<448x196xf32>
    %mul3A = arith.constant 0.0510310382 : f32
    %mul3A_8 = vector.broadcast %mul3A : f32 to vector<448x196xf32>
    %mul3A_9 = arith.mulf %dot_general3A_7, %mul3A_8 : vector<448x196xf32>
    %get3A_10 = arith.constant 0 : index
    %get3A_11 = arith.constant 0 : index
    %get3A_12 = vector.load %arg4[%get3A_10, %get3A_11] : memref<448x196xf32, #tpu.memory_space<vmem>>, vector<448x196xf32>
    %add3A = arith.addf %mul3A_9, %get3A_12 : vector<448x196xf32>
    %exp3A = math.exp %add3A : vector<448x196xf32>
    %reduce_sum3A = arith.constant dense<0.000000e+00> : vector<448xf32>
    %reduce_sum3A_13 = vector.multi_reduction <add>, %exp3A, %reduce_sum3A [1] : vector<448x196xf32> to vector<448xf32>
    %broadcast_in_dim3A = vector.shape_cast %reduce_sum3A_13 : vector<448xf32> to vector<448x1xf32>
    %div3A = vector.broadcast %broadcast_in_dim3A : vector<448x1xf32> to vector<448x196xf32>
    %div3A_14 = arith.divf %exp3A, %div3A : vector<448x196xf32>
    %convert_element_type3A = arith.truncf %div3A_14 : vector<448x196xf32> to vector<448x196xbf16>
    %dot_general3A_15 = arith.constant dense<0.000000e+00> : vector<448x384xf32>
    %dot_general3A_16 = tpu.matmul %convert_element_type3A, %get3A_6, %dot_general3A_15 {dimension_numbers = #tpu.dot_dimension_numbers<[1], [0], [0], [1], [0, 0, 1, 1], [], []>, transpose_lhs_hint = false} : vector<448x196xbf16>, vector<196x384xbf16>, vector<448x384xf32> -> vector<448x384xf32>
    %mul3A_17 = arith.constant 0.0333333351 : f32
    %mul3A_18 = vector.broadcast %mul3A_17 : f32 to vector<448x384xf32>
    %mul3A_19 = arith.mulf %dot_general3A_16, %mul3A_18 : vector<448x384xf32>
    %eq3A = arith.constant 0 : i32
    %eq3A_20 = arith.cmpi eq, %arg1, %eq3A : i32
    %convert_element_type3A_21 = arith.extui %eq3A_20 : i1 to i32
    %cond3A = arith.constant 0 : i32
    %cond3A_22 = arith.cmpi ne, %convert_element_type3A_21, %cond3A : i32
    scf.if %cond3A_22 {
      %swap3A = arith.constant 0 : index
      %swap3A_27 = arith.constant 0 : index
      %swap3A_28 = vector.load %arg5[%swap3A, %swap3A_27] : memref<448x384xf32, #tpu.memory_space<vmem>>, vector<448x384xf32>
      tpu.vector_store %arg5[%swap3A, %swap3A_27], %mul3A_19 {strides = array<i32>} : memref<448x384xf32, #tpu.memory_space<vmem>>, vector<448x384xf32>,
    } else {
    }
    %gt3A = arith.constant 0 : i32
    %gt3A_23 = arith.cmpi sgt, %arg1, %gt3A : i32
    %convert_element_type3A_24 = arith.extui %gt3A_23 : i1 to i32
    %cond3A_25 = arith.constant 0 : i32
    %cond3A_26 = arith.cmpi ne, %convert_element_type3A_24, %cond3A_25 : i32
    scf.if %cond3A_26 {
      %get3A_27 = arith.constant 0 : index
      %get3A_28 = arith.constant 0 : index
      %get3A_29 = vector.load %arg5[%get3A_27, %get3A_28] : memref<448x384xf32, #tpu.memory_space<vmem>>, vector<448x384xf32>
      %add3A_30 = arith.addf %get3A_29, %mul3A_19 : vector<448x384xf32>
      %swap3A = arith.constant 0 : index
      %swap3A_31 = arith.constant 0 : index
      %swap3A_32 = vector.load %arg5[%swap3A, %swap3A_31] : memref<448x384xf32, #tpu.memory_space<vmem>>, vector<448x384xf32>
      tpu.vector_store %arg5[%swap3A, %swap3A_31], %add3A_30 {strides = array<i32>} : memref<448x384xf32, #tpu.memory_space<vmem>>, vector<448x384xf32>,
    } else {
    }
    return
  }
  func.func @transform_0(%arg0: i32, %arg1: i32) -> (i32, i32) {
    %c0_i32 = arith.constant 0 : i32
    %c0_i32_0 = arith.constant 0 : i32
    return %arg0, %c0_i32 : i32, i32
  }
  func.func @transform_1(%arg0: i32, %arg1: i32) -> (i32, i32, i32) {
    %c0_i32 = arith.constant 0 : i32
    %c0_i32_0 = arith.constant 0 : i32
    %c0_i32_1 = arith.constant 0 : i32
    return %arg1, %c0_i32, %c0_i32_0 : i32, i32, i32
  }
  func.func @transform_2(%arg0: i32, %arg1: i32) -> (i32, i32) {
    %c0_i32 = arith.constant 0 : i32
    %c0_i32_0 = arith.constant 0 : i32
    return %arg0, %c0_i32 : i32, i32
  }
  func.func @transform_3(%arg0: i32, %arg1: i32) -> (i32, i32) {
    %c0_i32 = arith.constant 0 : i32
    %c0_i32_0 = arith.constant 0 : i32
    return %arg0, %c0_i32 : i32, i32
  }
}

</mosaic_0001>

<sc_bundles>
// kernel: kernel.10.cloned.1.call-start
scs
__scs_entry_jumppad:
0x0: {  	(pc) =	sbr.rel $0x88, $3  }
0x1: {  	(tag) =	ssettag $0x0;
	lr =	simm.s32 $0x1  }
0x2: {  	[smem:$0x3F9F] =	sst lr;
	_ =	strace $0xD0000000  }
0x3: {  	_ = 	snop  }
0x4: {  	_ = 	snop  }
0x5: {  	_ = 	snop  }
0x6: {  	_ = 	snop  }
0x7: {  	_ = 	snop  }
__scs_overlays_trampoline_lowered:
0x8: {  	[smem:$0x3FAE] =	sst s0  }
0x9: {  	[smem:$0x3FAF] =	sst s1  }
0xa: {  	[smem:$0x3FB0] =	sst s2  }
0xb: {  	[smem:$0x3FB1] =	sst s3  }
0xc: {  	[smem:$0x3FB2] =	sst s4  }
0xd: {  	[smem:$0x3FB3] =	sst s5  }
0xe: {  	[smem:$0x3FB4] =	sst s6  }
0xf: {  	[smem:$0x3FB5] =	sst s7  }
0x10: {  	[smem:$0x3FB6] =	sst s8  }
0x11: {  	[smem:$0x3FB7] =	sst s9;
	s0 =	simm.s32 @!p0 $0x0  }
0x12: {  	s1 =	sld [smem:$0x3F9D];
	s0 =	simm.s32 @p0 $0x1  }
0x13: {  	[smem:$0x3FB8] =	sst s0;
	s0 =	simm.s32 @!p1 $0x0  }
0x14: {  	s2 =	sld [smem:$0x3F9C];
	s0 =	simm.s32 @p1 $0x1  }
0x15: {  	[smem:$0x3FB9] =	sst s0;
	s0 =	simm.s32 @!p2 $0x0  }
0x16: {  	s3 =	sld [smem:$0x3FDB];
	s0 =	simm.s32 @p2 $0x1  }
0x17: {  	s4 =	simm.s32 $0x1BF5;
	[smem:$0x3FBB] =	sst s0  }
0x18: {  	s0 =	sld [smem:$0x3F9E];
	_ =	swait.ge [sflag:s4], $0x0  }
0x19: {  	s7 =	sld [smem:$0x3F9F]  }
0x1a: {  	s8 =	sadd.s32 $0xFFFFE003, lr  }
0x1b: {  	s9 =	sadd.s32 $0xFFFFFEF7, lr;
	s5 =	simm.s32 $0xFFFFFFFF;
	p2 =	slt.u32 s8, $0xFFFFF086  }
0x1c: {  	p1 =	slt.u32 s9, $0xF7A;
	s5 =	simm.s32 @!p2 $0x0  }
0x1d: {  	s5 =	simm.s32 @p1 $0x1;
	p0 =	seq.s32 s7, s2  }
0x1e: {  	s7 =	smul.u32 @!p0 $0xF7A, s2;
	p2 =	seq.s32 @!p0 s5, $0x0  }
0x1f: {  	s9 =	smul.u32 $0xF7A, s1;
	s8 =	simm.s32 @!p0 $0x1BF5;
	p2 =	por !p2, p0  }
0x20: {  	[sflag:s8] =	ssyncset.s32 @!p0 $0xFFFFF086;
	s6 =	sadd.s32 @!p0 s3, s7;
	s7 =	simm.s32 @!p0 $0x108  }
0x21: {  	s3 =	sadd.s32 s3, s9;
	s6 =	sadd.s32 @!p0 $0x88, s6;
	s7 =	simm.s32 @p2 $0x1082  }
0x22: {  	[simem:s7], [sflag:s8] =	dma.local @!p0 [hbm:s6], $0xF7A  }
0x23: {  	s9 =	sor.u32 $0xD0000000, s2;
	s6 =	simm.s32 $0x108;
	_ =	swait.ge @!p0 [sflag:s8], $0x0  }
0x24: {  	s3 =	sadd.s32 $0x88, s3;
	s6 =	simm.s32 @!p1 $0x1082;
	[sflag:s4] =	ssyncset.s32 $0xFFFFF086  }
0x25: {  	[simem:s6], [sflag:s4] =	dma.local [hbm:s3], $0xF7A  }
0x26: {  	[smem:$0x3F9F] =	sst s1;
	(tag) =	ssettag s2;
	_ =	strace s9  }
0x27: {  	s1 =	sld [smem:$0x3FAF]  }
0x28: {  	s2 =	sld [smem:$0x3FB0]  }
0x29: {  	s4 =	sld [smem:$0x3FB2]  }
0x2a: {  	p0 =	seq.s32 s5, $0x0;
	s5 =	sld [smem:$0x3FB3]  }
0x2b: {  	s6 =	sld [smem:$0x3FB4]  }
0x2c: {  	s7 =	sld [smem:$0x3FB5]  }
0x2d: {  	s3 =	simm.s32 $0x108;
	s8 =	sld [smem:$0x3FB6]  }
0x2e: {  	s3 =	simm.s32 @!p0 $0x1082;
	s9 =	sld [smem:$0x3FB7]  }
0x2f: {  	lr =	sadd.s32 s0, s3;
	s0 =	sld [smem:$0x3FAE]  }
0x30: {  	s3 =	sld [smem:$0x3FB1]  }
0x31: {  	[smem:$0x3FBA] =	sst s10  }
0x32: {  	s10 =	sld [smem:$0x3FB8];
	_ =	sdelay $0x3  }
0x33: {  	p0 =	seq.s32 s10, $0x1;
	s10 =	sld [smem:$0x3FBA];
	_ =	sdelay $0x3  }
0x34: {  	[smem:$0x3FBA] =	sst s10  }
0x35: {  	s10 =	sld [smem:$0x3FB9];
	_ =	sdelay $0x3  }
0x36: {  	p1 =	seq.s32 s10, $0x1;
	s10 =	sld [smem:$0x3FBA];
	_ =	sdelay $0x3  }
0x37: {  	[smem:$0x3FBA] =	sst s10  }
0x38: {  	s10 =	sld [smem:$0x3FBB]  }
0x39: {  	_ = 	snop;
	(pc) =	sbr.ind lr, $3  }
0x3a: {  	_ = 	snop  }
0x3b: {  	_ = 	snop  }
0x3c: {  	p2 =	seq.s32 s10, $0x1;
	s10 =	sld [smem:$0x3FBA]  }
0x3d: {  	_ =	shalt  }
0x3e: {  	_ =	shalt  }
0x3f: {  	_ =	shalt  }
0x40: {  	_ =	shalt  }
0x41: {  	_ =	shalt  }
0x42: {  	_ =	shalt  }
0x43: {  	_ =	shalt  }
0x44: {  	_ =	shalt  }
0x45: {  	_ =	shalt  }
0x46: {  	_ =	shalt  }
0x47: {  	_ =	shalt  }
0x48: {  	_ =	shalt  }
0x49: {  	_ =	shalt  }
0x4a: {  	_ =	shalt  }
0x4b: {  	_ =	shalt  }
0x4c: {  	_ =	shalt  }
0x4d: {  	_ =	shalt  }
0x4e: {  	_ =	shalt  }
0x4f: {  	_ =	shalt  }
0x50: {  	_ =	shalt  }
0x51: {  	_ =	shalt  }
0x52: {  	_ =	shalt  }
0x53: {  	_ =	shalt  }
0x54: {  	_ =	shalt  }
0x55: {  	_ =	shalt  }
0x56: {  	_ =	shalt  }
0x57: {  	_ =	shalt  }
0x58: {  	_ =	shalt  }
0x59: {  	_ =	shalt  }
0x5a: {  	_ =	shalt  }
0x5b: {  	_ =	shalt  }
0x5c: {  	_ =	shalt  }
0x5d: {  	_ =	shalt  }
0x5e: {  	_ =	shalt  }
0x5f: {  	_ =	shalt  }
0x60: {  	_ =	shalt  }
0x61: {  	_ =	shalt  }
0x62: {  	_ =	shalt  }
0x63: {  	_ =	shalt  }
0x64: {  	_ =	shalt  }
0x65: {  	_ =	shalt  }
0x66: {  	_ =	shalt  }
0x67: {  	_ =	shalt  }
0x68: {  	_ =	shalt  }
0x69: {  	_ =	shalt  }
0x6a: {  	_ =	shalt  }
0x6b: {  	_ =	shalt  }
0x6c: {  	_ =	shalt  }
0x6d: {  	_ =	shalt  }
0x6e: {  	_ =	shalt  }
0x6f: {  	_ =	shalt  }
0x70: {  	_ =	shalt  }
0x71: {  	_ =	shalt  }
0x72: {  	_ =	shalt  }
0x73: {  	_ =	shalt  }
0x74: {  	_ =	shalt  }
0x75: {  	_ =	shalt  }
0x76: {  	_ =	shalt  }
0x77: {  	_ =	shalt  }
0x78: {  	_ =	shalt  }
0x79: {  	_ =	shalt  }
0x7a: {  	_ =	shalt  }
0x7b: {  	_ =	shalt  }
0x7c: {  	_ =	shalt  }
0x7d: {  	_ =	shalt  }
0x7e: {  	_ =	shalt  }
0x7f: {  	_ =	shalt  }
0x80: {  	_ =	shalt  }
0x81: {  	_ =	shalt  }
0x82: {  	_ =	shalt  }
0x83: {  	_ =	shalt  }
0x84: {  	_ =	shalt  }
0x85: {  	_ =	shalt  }
0x86: {  	_ =	shalt  }
0x87: {  	_ =	shalt  }
.Lfunc_end0:
.L_simem_size_0:
called_computation_lowered:
.L_overlay_start_0:
0x88: {  	s2 =	sld [smem:$0x3FD9]  }
0x89: {  	s3 =	sld [smem:$0x3FFE];
	_ =	sdelay $0x1  }
0x8a: {  	s1 =	srdreg.scid  }
0x8b: {  	s0 =	sand.u32 $0x1, s1  }
0x8c: {  	s17 =	sshll.u32 s0, $0xA;
	s2 =	sadd.s32 s3, s2  }
0x8d: {  	s2 =	sadd.s32 s2, s17  }
0x8e: {  	[smem:$0x3FC6] =	sst s2  }
0x8f: {  	_ = 	snop  }
0x90: {  	s2 =	sld [smem:$0x3FC9]  }
0x91: {  	s18 =	sld [smem:$0x3FD0];
	(tm) =	ssettm $0x1  }
0x92: {  	s4 =	sld [smem:$0x3FFB];
	_ =	sdelay $0x3  }
0x93: {  	_ =	strace s4  }
0x94: {  	s4 =	sld [smem:$0x3FFC];
	_ =	sdelay $0x3  }
0x95: {  	_ =	strace s4  }
0x96: {  	s4 =	sld [smem:$0x3FFD];
	_ =	sdelay $0x3  }
0x97: {  	_ =	strace s4  }
0x98: {  	_ =	strace $0x8FFFFFFF  }
0x99: {  	s19 =	sld [smem:$0x3FDB];
	_ =	sdelay $0x1  }
0x9a: {  	s5 =	simm.s32 $_scs_section_size  }
0x9b: {  	s6 =	simm.s32 $_size__tile_overlayer_lowered;
	s7 =	simm.s32 $_tile_overlayer_lowered  }
0x9c: {  	s22 =	simm.s32 $0x1BFF;
	s21 =	sshll.u32 s7, $0x1;
	s4 =	sadd.s32 s5, s19  }
0x9d: {  	s8 =	simm.s32 $0x0;
	s20 =	sshll.u32 s6, $0x1;
	s6 =	sadd.s32 s21, s4  }
0x9e: {  	[timem:s8], [sflag:s22] =	dma.local [hbm:s6], s20  }
0x9f: {  	_ =	swait.ge [sflag:s22], s20  }
0xa0: {  	s5 =	ssub.s32 $0x0, s20;
	[sflag:s22] =	ssyncset.done $0x0  }
0xa1: {  	[sflag:s22] =	ssyncadd.s32 s5;
	_ =	sdelay $0x1  }
0xa2: {  	s23 =	simm.s32 $0x1B8B  }
0xa3: {  	_ =	swait.ge [sflag:s23], $0x1  }
0xa4: {  	[sflag:s23] =	ssyncset.done $0x0  }
0xa5: {  	s25 =	simm.s32 $0x1B8E;
	s24 =	sld [smem:$0x3FFE];
	[sflag:s23] =	ssyncadd.s32 $0xFFFFFFFF  }
0xa6: {  	s26 =	simm.s32 $execute0_lowered;
	[smem:$0x3FD2] =	sst s25  }
0xa7: {  	s6 =	sshll.u32 s26, $0x1;
	_ =	strace $0x80000046;
	[dreg:$0x1] =	wrdreg $0xFFFFFFFF  }
0xa8: {  	s28 =	simm.s32 $_size_execute0_lowered;
	s4 =	sadd.s32 s4, s6;
	[dreg:$0x0] =	wrdreg $0x0  }
0xa9: {  	s6 =	sshll.u32 s28, $0x1;
	[dreg:$0x2] =	wrdreg s4  }
0xaa: {  	[dreg:$0x3] =	wrdreg s6  }
0xab: {  	[dreg:$0x4] =	wrdreg $0xC0  }
0xac: {  	_ =	task [dreg:s8], $0x5FFFF  }
0xad: {  	[dreg:$0x1] =	wrdreg $0xFFFFFFFF  }
0xae: {  	[dreg:$0x0] =	wrdreg $0x60  }
0xaf: {  	[dreg:$0x2] =	wrdreg s2  }
0xb0: {  	[dreg:$0x3] =	wrdreg s18  }
0xb1: {  	[dreg:$0x4] =	wrdreg s24  }
0xb2: {  	[dreg:$0x5] =	wrdreg $0x9  }
0xb3: {  	_ =	task.clear_ibuf [dreg:s8], $0x6FFFF;
	_ =	strace $0x90000046  }
0xb4: {  	s29 =	simm.s32 $0x9;
	_ =	strace $0x80000048  }
0xb5: {  	_ =	swait.ge [sflag:s29], $0x1  }
0xb6: {  	[sflag:s29] =	ssyncadd.s32 $0xFFFFFFFF  }
0xb7: {  	_ =	strace $0x90000048  }
0xb8: {  	_ =	sfence  }
0xb9: {  	s30 =	sld [smem:$0x0];
	_ =	sdelay $0x2  }
0xba: {  	s31 =	sshll.u32 s1, $0xD;
	s1 =	sshrl.u32 s1, $0x2  }
0xbb: {  	s3 =	sand.u32 $0x4000, s31;
	s1 =	sadd.s32 s1, s30  }
0xbc: {  	s0 =	sor.u32 s3, s0;
	s1 =	sshll.u32 s1, $0x11  }
0xbd: {  	s0 =	sor.u32 s1, s0  }
0xbe: {  	s0 =	sadd.s32 $0x8F2B, s0  }
0xbf: {  	[sflag:s0] =	ssyncadd.remote.s32 $0x1  }
0xc0: {  	_ =	sfence.sel $0xFFFF  }
0xc1: {  	[dreg:$0x0] =	wrdreg $0xFFFFFFFF;
	(pc) =	sbr.abs _section_cstart, $3  }
0xc2: {  	[dreg:$0x1] =	wrdreg $0xFFFFFFFF  }
0xc3: {  	_ =	task.clear_ibuf [dreg:s8], $0x2FFFF;
	_ =	strace $0x9FFFFFFF  }
0xc4: {  	(tm) =	ssettm $0x7FFFFFFF  }
0xc5: {  	_ =	shalt  }
tec
execute0_lowered:
.L_overlay_start_1:
0x0: {  	(tag) =	ssettag $0x1  }
0x1: {  	s1 =	rddreg [dreg:$0x0]  }
0x2: {  	s2 =	srdreg.scid;
	s0 =	stileid.u32  }
0x3: {  	s4 =	rddreg [dreg:$0x1];
	s2 =	sand.u32 $0x1, s2;
	s3 =	sshll.u32 s0, $0x1  }
0x4: {  	s5 =	rddreg [dreg:$0x2];
	s6 =	sor.u32 s2, s3;
	s3 =	simm.s32 $0x0  }
0x5: {  	s25 =	simm.s32 $0x900;
	[smem:$0x7FF] =	sst s3  }
0x6: {  	s26 =	simm.s32 $0xD00;
	_ =	strace $0x80000047;
	[dreg:$0x6] =	wrdreg s25  }
0x7: {  	s0 =	simm.s32 $0x1500;
	[dreg:$0x7] =	wrdreg s26  }
0x8: {  	s8 =	simm.s32 $0x2D00;
	[dreg:$0x8] =	wrdreg s0  }
0x9: {  	s9 =	simm.s32 $0x3100;
	[dreg:$0xc] =	wrdreg s8  }
0xa: {  	s10 =	simm.s32 $0x3900;
	[dreg:$0xd] =	wrdreg s9  }
0xb: {  	s11 =	simm.s32 $0x3D00;
	[dreg:$0xe] =	wrdreg s10  }
0xc: {  	s12 =	simm.s32 $0x4500;
	s13 =	simm.s32 $0x4900;
	[dreg:$0xf] =	wrdreg s11  }
0xd: {  	s14 =	simm.s32 $0x5100;
	s15 =	simm.s32 $0x5500;
	[dreg:$0x10] =	wrdreg s12  }
0xe: {  	s16 =	simm.s32 $0x5D00;
	s17 =	simm.s32 $0x6100;
	[dreg:$0x11] =	wrdreg s13  }
0xf: {  	s18 =	simm.s32 $0x6900;
	s19 =	simm.s32 $0x6D00;
	[dreg:$0x12] =	wrdreg s14  }
0x10: {  	s20 =	simm.s32 $0x7500;
	s21 =	simm.s32 $0x7900;
	[dreg:$0x13] =	wrdreg s15  }
0x11: {  	s23 =	simm.s32 $0x8100;
	s28 =	simm.s32 $0x10900;
	[dreg:$0x14] =	wrdreg s16  }
0x12: {  	s29 =	simm.s32 $0x11100;
	s30 =	simm.s32 $0x11500;
	[dreg:$0x15] =	wrdreg s17  }
0x13: {  	s31 =	simm.s32 $0x11D00;
	s2 =	ssub.s32 $0x2, s2;
	[dreg:$0x16] =	wrdreg s18  }
0x14: {  	s7 =	smul.u32 $0x2400, s6;
	s6 =	sshll.u32 s6, $0x5;
	[dreg:$0x17] =	wrdreg s19  }
0x15: {  	s22 =	sshrl.u32 s2, $0x1;
	s4 =	sadd.s32 s4, s6;
	[dreg:$0x18] =	wrdreg s20  }
0x16: {  	s6 =	simm.s32 $0x2100;
	[dreg:$0x19] =	wrdreg s21;
	s2 =	ssub.s32 s2, s22  }
0x17: {  	[dreg:$0x1a] =	wrdreg s23;
	s25 =	simm.s32 $0x8D00;
	s26 =	simm.s32 $0x9100  }
0x18: {  	s9 =	simm.s32 $0x9D00;
	s10 =	simm.s32 $0xA500;
	s11 =	simm.s32 $0xA900  }
0x19: {  	s12 =	simm.s32 $0xB100;
	s13 =	simm.s32 $0xB500;
	s14 =	simm.s32 $0xBD00  }
0x1a: {  	s15 =	simm.s32 $0xC100;
	s16 =	simm.s32 $0xC900;
	s17 =	simm.s32 $0xCD00  }
0x1b: {  	s18 =	simm.s32 $0xD500;
	s19 =	simm.s32 $0xD900;
	s20 =	simm.s32 $0xE100  }
0x1c: {  	s21 =	simm.s32 $0xE500;
	s22 =	simm.s32 $0xED00;
	[dreg:$0x4] =	wrdreg s4  }
0x1d: {  	s23 =	simm.s32 $0xF100;
	s5 =	sadd.s32 s7, s5;
	[dreg:$0xa] =	wrdreg s6  }
0x1e: {  	s7 =	simm.s32 $0x2500;
	s4 =	sadd.s32 $0x100, s1;
	[dreg:$0x1c] =	wrdreg s25  }
0x1f: {  	s6 =	simm.s32 $0x2;
	[dreg:$0x1d] =	wrdreg s26;
	s25 =	simm.s32 $0xFD00  }
0x20: {  	s26 =	simm.s32 $0x10500;
	s24 =	sadd.s32 $0xA00, s5;
	[dreg:$0xb] =	wrdreg s7  }
0x21: {  	v2 =	vlaneseq.u32;
	s5 =	simm.s32 $0x1900;
	s7 =	simm.s32 $0x100;
	[dreg:$0x5] =	wrdreg s24  }
0x22: {  	vm0 =	vmmov $0xffff;
	vm1 =	vmmov $0xff;
	v1 =	vshrl.u32 v2, $0x3;
	[dreg:$0x9] =	wrdreg s5;
	s24 =	simm.s32 $0x8500;
	s5 =	smax.u32 s2, $0x1  }
0x23: {  	v0 =	vand.u32 $0x7, v2;
	v2 =	vor.u32 $0x8, v2;
	v1 =	vmul.u32 $0x8, v1;
	s2 =	simm.s32 $0x1;
	[dreg:$0x1b] =	wrdreg s24;
	s24 =	simm.s32 $0xF900  }
.LBB2_1:
0x24: {  	s0 =	rddreg [dreg:$0x4]  }
0x25: {  	[tilespmem:s3], [sflag:$0x2] =	stream.linear.gather [hbm4b:s0+s3], $0x100, $0x38;
	[tilespmem:$0x12100] =	vst v63  }
0x26: {  	_ =	swait.ge [sflag:s6], $0x100  }
0x27: {  	[sflag:s6] =	ssyncset.done $0x0  }
0x28: {  	[sflag:s6] =	ssyncadd.s32 $0xFFFFFF00  }
0x29: {  	v3 =	vld [tilespmem:$0x0];
	_ =	sdelay $0x4  }
0x2a: {  	v4 =	vshrl.u32 v3, $0x3  }
0x2b: {  	v4 =	vmul.u32 $0x18, v4  }
0x2c: {  	v3 =	vand.u32 $0x7, v3  }
0x2d: {  	v3 =	vor.u32 v3, v4  }
0x2e: {  	v4 =	vperm.xlane v3, v0;
	_ =	sdelay $0x1  }
0x2f: {  	v4 =	vadd.s32 v1, v4;
	_ =	sdelay $0x1  }
0x30: {  	v3 =	vperm.xlane v3, v2;
	_ =	sdelay $0x1  }
0x31: {  	v3 =	vadd.s32 v1, v3  }
0x32: {  	[tilespmem:s7], [sflag:$0x1] =	stream.indirect_vreg.gather [hbm4b:s1+s3], $0x80, v4, vm0, $0xb8;
	[tilespmem:$0x12100] =	vst v63  }
0x33: {  	s0 =	rddreg [dreg:$0x6]  }
0x34: {  	[tilespmem:s0], [sflag:$0x1] =	stream.indirect_vreg.gather [hbm4b:s4+s3], $0x80, v4, vm1, $0xb8;
	[tilespmem:$0x12100] =	vst v63  }
0x35: {  	s8 =	rddreg [dreg:$0x7]  }
0x36: {  	[tilespmem:s8], [sflag:$0x1] =	stream.indirect_vreg.gather [hbm4b:s1+s3], $0x80, v3, vm0, $0xb8;
	[tilespmem:$0x12100] =	vst v63  }
0x37: {  	s0 =	rddreg [dreg:$0x8]  }
0x38: {  	[tilespmem:s0], [sflag:$0x1] =	stream.indirect_vreg.gather [hbm4b:s4+s3], $0x80, v3, vm1, $0xb8;
	[tilespmem:$0x12100] =	vst v63  }
0x39: {  	v3 =	vld [tilespmem:$0x10];
	_ =	sdelay $0x4  }
0x3a: {  	v53 =	vshrl.u32 v3, $0x3  }
0x3b: {  	v4 =	vmul.u32 $0x18, v53  }
0x3c: {  	v3 =	vand.u32 $0x7, v3  }
0x3d: {  	v3 =	vor.u32 v3, v4  }
0x3e: {  	v4 =	vperm.xlane v3, v0;
	_ =	sdelay $0x1  }
0x3f: {  	v4 =	vadd.s32 v1, v4;
	_ =	sdelay $0x1  }
0x40: {  	v3 =	vperm.xlane v3, v2;
	_ =	sdelay $0x1  }
0x41: {  	s0 =	rddreg [dreg:$0x9];
	v3 =	vadd.s32 v1, v3  }
0x42: {  	[tilespmem:s0], [sflag:$0x1] =	stream.indirect_vreg.gather [hbm4b:s1+s3], $0x80, v4, vm0, $0xb8;
	[tilespmem:$0x12100] =	vst v63  }
0x43: {  	s8 =	rddreg [dreg:$0xa]  }
0x44: {  	[tilespmem:s8], [sflag:$0x1] =	stream.indirect_vreg.gather [hbm4b:s4+s3], $0x80, v4, vm1, $0xb8;
	[tilespmem:$0x12100] =	vst v63  }
0x45: {  	s0 =	rddreg [dreg:$0xb]  }
0x46: {  	[tilespmem:s0], [sflag:$0x1] =	stream.indirect_vreg.gather [hbm4b:s1+s3], $0x80, v3, vm0, $0xb8;
	[tilespmem:$0x12100] =	vst v63  }
0x47: {  	s8 =	rddreg [dreg:$0xc]  }
0x48: {  	[tilespmem:s8], [sflag:$0x1] =	stream.indirect_vreg.gather [hbm4b:s4+s3], $0x80, v3, vm1, $0xb8;
	[tilespmem:$0x12100] =	vst v63  }
0x49: {  	v3 =	vld [tilespmem:$0x20];
	_ =	sdelay $0x4  }
0x4a: {  	v54 =	vshrl.u32 v3, $0x3  }
0x4b: {  	v4 =	vmul.u32 $0x18, v54  }
0x4c: {  	v3 =	vand.u32 $0x7, v3  }
0x4d: {  	v3 =	vor.u32 v3, v4  }
0x4e: {  	v4 =	vperm.xlane v3, v0;
	_ =	sdelay $0x1  }
0x4f: {  	v4 =	vadd.s32 v1, v4;
	_ =	sdelay $0x1  }
0x50: {  	v3 =	vperm.xlane v3, v2;
	_ =	sdelay $0x1  }
0x51: {  	s0 =	rddreg [dreg:$0xd];
	v3 =	vadd.s32 v1, v3  }
0x52: {  	[tilespmem:s0], [sflag:$0x1] =	stream.indirect_vreg.gather [hbm4b:s1+s3], $0x80, v4, vm0, $0xb8;
	[tilespmem:$0x12100] =	vst v63  }
0x53: {  	s8 =	rddreg [dreg:$0xe]  }
0x54: {  	[tilespmem:s8], [sflag:$0x1] =	stream.indirect_vreg.gather [hbm4b:s4+s3], $0x80, v4, vm1, $0xb8;
	[tilespmem:$0x12100] =	vst v63  }
0x55: {  	s0 =	rddreg [dreg:$0xf]  }
0x56: {  	[tilespmem:s0], [sflag:$0x1] =	stream.indirect_vreg.gather [hbm4b:s1+s3], $0x80, v3, vm0, $0xb8;
	[tilespmem:$0x12100] =	vst v63  }
0x57: {  	s8 =	rddreg [dreg:$0x10]  }
0x58: {  	[tilespmem:s8], [sflag:$0x1] =	stream.indirect_vreg.gather [hbm4b:s4+s3], $0x80, v3, vm1, $0xb8;
	[tilespmem:$0x12100] =	vst v63  }
0x59: {  	v3 =	vld [tilespmem:$0x30];
	_ =	sdelay $0x4  }
0x5a: {  	v55 =	vshrl.u32 v3, $0x3  }
0x5b: {  	v4 =	vmul.u32 $0x18, v55  }
0x5c: {  	v3 =	vand.u32 $0x7, v3  }
0x5d: {  	v3 =	vor.u32 v3, v4  }
0x5e: {  	v4 =	vperm.xlane v3, v0;
	_ =	sdelay $0x1  }
0x5f: {  	v4 =	vadd.s32 v1, v4;
	_ =	sdelay $0x1  }
0x60: {  	v3 =	vperm.xlane v3, v2;
	_ =	sdelay $0x1  }
0x61: {  	s0 =	rddreg [dreg:$0x11];
	v3 =	vadd.s32 v1, v3  }
0x62: {  	[tilespmem:s0], [sflag:$0x1] =	stream.indirect_vreg.gather [hbm4b:s1+s3], $0x80, v4, vm0, $0xb8;
	[tilespmem:$0x12100] =	vst v63  }
0x63: {  	s8 =	rddreg [dreg:$0x12]  }
0x64: {  	[tilespmem:s8], [sflag:$0x1] =	stream.indirect_vreg.gather [hbm4b:s4+s3], $0x80, v4, vm1, $0xb8;
	[tilespmem:$0x12100] =	vst v63  }
0x65: {  	s0 =	rddreg [dreg:$0x13]  }
0x66: {  	[tilespmem:s0], [sflag:$0x1] =	stream.indirect_vreg.gather [hbm4b:s1+s3], $0x80, v3, vm0, $0xb8;
	[tilespmem:$0x12100] =	vst v63  }
0x67: {  	s8 =	rddreg [dreg:$0x14]  }
0x68: {  	[tilespmem:s8], [sflag:$0x1] =	stream.indirect_vreg.gather [hbm4b:s4+s3], $0x80, v3, vm1, $0xb8;
	[tilespmem:$0x12100] =	vst v63  }
0x69: {  	v3 =	vld [tilespmem:$0x40];
	_ =	sdelay $0x4  }
0x6a: {  	v56 =	vshrl.u32 v3, $0x3  }
0x6b: {  	v4 =	vmul.u32 $0x18, v56  }
0x6c: {  	v3 =	vand.u32 $0x7, v3  }
0x6d: {  	v3 =	vor.u32 v3, v4  }
0x6e: {  	v4 =	vperm.xlane v3, v0;
	_ =	sdelay $0x1  }
0x6f: {  	v4 =	vadd.s32 v1, v4;
	_ =	sdelay $0x1  }
0x70: {  	v3 =	vperm.xlane v3, v2;
	_ =	sdelay $0x1  }
0x71: {  	s0 =	rddreg [dreg:$0x15];
	v3 =	vadd.s32 v1, v3  }
0x72: {  	[tilespmem:s0], [sflag:$0x1] =	stream.indirect_vreg.gather [hbm4b:s1+s3], $0x80, v4, vm0, $0xb8;
	[tilespmem:$0x12100] =	vst v63  }
0x73: {  	s8 =	rddreg [dreg:$0x16]  }
0x74: {  	[tilespmem:s8], [sflag:$0x1] =	stream.indirect_vreg.gather [hbm4b:s4+s3], $0x80, v4, vm1, $0xb8;
	[tilespmem:$0x12100] =	vst v63  }
0x75: {  	s0 =	rddreg [dreg:$0x17]  }
0x76: {  	[tilespmem:s0], [sflag:$0x1] =	stream.indirect_vreg.gather [hbm4b:s1+s3], $0x80, v3, vm0, $0xb8;
	[tilespmem:$0x12100] =	vst v63  }
0x77: {  	s8 =	rddreg [dreg:$0x18]  }
0x78: {  	[tilespmem:s8], [sflag:$0x1] =	stream.indirect_vreg.gather [hbm4b:s4+s3], $0x80, v3, vm1, $0xb8;
	[tilespmem:$0x12100] =	vst v63  }
0x79: {  	v3 =	vld [tilespmem:$0x50];
	_ =	sdelay $0x4  }
0x7a: {  	v57 =	vshrl.u32 v3, $0x3  }
0x7b: {  	v4 =	vmul.u32 $0x18, v57  }
0x7c: {  	v3 =	vand.u32 $0x7, v3  }
0x7d: {  	v3 =	vor.u32 v3, v4  }
0x7e: {  	v4 =	vperm.xlane v3, v0;
	_ =	sdelay $0x1  }
0x7f: {  	v4 =	vadd.s32 v1, v4;
	_ =	sdelay $0x1  }
0x80: {  	v3 =	vperm.xlane v3, v2;
	_ =	sdelay $0x1  }
0x81: {  	s0 =	rddreg [dreg:$0x19];
	v3 =	vadd.s32 v1, v3  }
0x82: {  	[tilespmem:s0], [sflag:$0x1] =	stream.indirect_vreg.gather [hbm4b:s1+s3], $0x80, v4, vm0, $0xb8;
	[tilespmem:$0x12100] =	vst v63  }
0x83: {  	s8 =	rddreg [dreg:$0x1a]  }
0x84: {  	[tilespmem:s8], [sflag:$0x1] =	stream.indirect_vreg.gather [hbm4b:s4+s3], $0x80, v4, vm1, $0xb8;
	[tilespmem:$0x12100] =	vst v63  }
0x85: {  	s0 =	rddreg [dreg:$0x1b]  }
0x86: {  	[tilespmem:s0], [sflag:$0x1] =	stream.indirect_vreg.gather [hbm4b:s1+s3], $0x80, v3, vm0, $0xb8;
	[tilespmem:$0x12100] =	vst v63  }
0x87: {  	s8 =	rddreg [dreg:$0x1c]  }
0x88: {  	[tilespmem:s8], [sflag:$0x1] =	stream.indirect_vreg.gather [hbm4b:s4+s3], $0x80, v3, vm1, $0xb8;
	[tilespmem:$0x12100] =	vst v63  }
0x89: {  	v3 =	vld [tilespmem:$0x80];
	_ =	sdelay $0x4  }
0x8a: {  	v58 =	vshrl.u32 v3, $0x3  }
0x8b: {  	v4 =	vmul.u32 $0x18, v58  }
0x8c: {  	v3 =	vand.u32 $0x7, v3  }
0x8d: {  	v3 =	vor.u32 v3, v4  }
0x8e: {  	v4 =	vperm.xlane v3, v0;
	_ =	sdelay $0x1  }
0x8f: {  	v4 =	vadd.s32 v1, v4;
	_ =	sdelay $0x1  }
0x90: {  	v3 =	vperm.xlane v3, v2;
	_ =	sdelay $0x1  }
0x91: {  	s8 =	rddreg [dreg:$0x1d];
	v3 =	vadd.s32 v1, v3  }
0x92: {  	[tilespmem:s8], [sflag:$0x1] =	stream.indirect_vreg.gather [hbm4b:s1+s3], $0x80, v4, vm0, $0xb8;
	[tilespmem:$0x12100] =	vst v63  }
0x93: {  	s8 =	simm.s32 $0x9900  }
0x94: {  	[tilespmem:s8], [sflag:$0x1] =	stream.indirect_vreg.gather [hbm4b:s4+s3], $0x80, v4, vm1, $0xb8;
	[tilespmem:$0x12100] =	vst v63  }
0x95: {  	_ = 	snop  }
0x96: {  	[tilespmem:s9], [sflag:$0x1] =	stream.indirect_vreg.gather [hbm4b:s1+s3], $0x80, v3, vm0, $0xb8;
	[tilespmem:$0x12100] =	vst v63  }
0x97: {  	_ = 	snop  }
0x98: {  	[tilespmem:s10], [sflag:$0x1] =	stream.indirect_vreg.gather [hbm4b:s4+s3], $0x80, v3, vm1, $0xb8;
	[tilespmem:$0x12100] =	vst v63  }
0x99: {  	v3 =	vld [tilespmem:$0x90];
	_ =	sdelay $0x4  }
0x9a: {  	v59 =	vshrl.u32 v3, $0x3  }
0x9b: {  	v4 =	vmul.u32 $0x18, v59  }
0x9c: {  	v3 =	vand.u32 $0x7, v3  }
0x9d: {  	v3 =	vor.u32 v3, v4  }
0x9e: {  	v4 =	vperm.xlane v3, v0;
	_ =	sdelay $0x1  }
0x9f: {  	v4 =	vadd.s32 v1, v4;
	_ =	sdelay $0x1  }
0xa0: {  	v3 =	vperm.xlane v3, v2;
	_ =	sdelay $0x1  }
0xa1: {  	v3 =	vadd.s32 v1, v3  }
0xa2: {  	[tilespmem:s11], [sflag:$0x1] =	stream.indirect_vreg.gather [hbm4b:s1+s3], $0x80, v4, vm0, $0xb8;
	[tilespmem:$0x12100] =	vst v63  }
0xa3: {  	_ = 	snop  }
0xa4: {  	[tilespmem:s12], [sflag:$0x1] =	stream.indirect_vreg.gather [hbm4b:s4+s3], $0x80, v4, vm1, $0xb8;
	[tilespmem:$0x12100] =	vst v63  }
0xa5: {  	_ = 	snop  }
0xa6: {  	[tilespmem:s13], [sflag:$0x1] =	stream.indirect_vreg.gather [hbm4b:s1+s3], $0x80, v3, vm0, $0xb8;
	[tilespmem:$0x12100] =	vst v63  }
0xa7: {  	_ = 	snop  }
0xa8: {  	[tilespmem:s14], [sflag:$0x1] =	stream.indirect_vreg.gather [hbm4b:s4+s3], $0x80, v3, vm1, $0xb8;
	[tilespmem:$0x12100] =	vst v63  }
0xa9: {  	v3 =	vld [tilespmem:$0xA0];
	_ =	sdelay $0x4  }
0xaa: {  	v60 =	vshrl.u32 v3, $0x3  }
0xab: {  	v4 =	vmul.u32 $0x18, v60  }
0xac: {  	v3 =	vand.u32 $0x7, v3  }
0xad: {  	v3 =	vor.u32 v3, v4  }
0xae: {  	v4 =	vperm.xlane v3, v0;
	_ =	sdelay $0x1  }
0xaf: {  	v4 =	vadd.s32 v1, v4;
	_ =	sdelay $0x1  }
0xb0: {  	v3 =	vperm.xlane v3, v2;
	_ =	sdelay $0x1  }
0xb1: {  	v3 =	vadd.s32 v1, v3  }
0xb2: {  	[tilespmem:s15], [sflag:$0x1] =	stream.indirect_vreg.gather [hbm4b:s1+s3], $0x80, v4, vm0, $0xb8;
	[tilespmem:$0x12100] =	vst v63  }
0xb3: {  	_ = 	snop  }
0xb4: {  	[tilespmem:s16], [sflag:$0x1] =	stream.indirect_vreg.gather [hbm4b:s4+s3], $0x80, v4, vm1, $0xb8;
	[tilespmem:$0x12100] =	vst v63  }
0xb5: {  	_ = 	snop  }
0xb6: {  	[tilespmem:s17], [sflag:$0x1] =	stream.indirect_vreg.gather [hbm4b:s1+s3], $0x80, v3, vm0, $0xb8;
	[tilespmem:$0x12100] =	vst v63  }
0xb7: {  	_ = 	snop  }
0xb8: {  	[tilespmem:s18], [sflag:$0x1] =	stream.indirect_vreg.gather [hbm4b:s4+s3], $0x80, v3, vm1, $0xb8;
	[tilespmem:$0x12100] =	vst v63  }
0xb9: {  	v3 =	vld [tilespmem:$0xB0];
	_ =	sdelay $0x4  }
0xba: {  	v61 =	vshrl.u32 v3, $0x3  }
0xbb: {  	v4 =	vmul.u32 $0x18, v61  }
0xbc: {  	v3 =	vand.u32 $0x7, v3  }
0xbd: {  	v3 =	vor.u32 v3, v4  }
0xbe: {  	v4 =	vperm.xlane v3, v0;
	_ =	sdelay $0x1  }
0xbf: {  	v4 =	vadd.s32 v1, v4;
	_ =	sdelay $0x1  }
0xc0: {  	v3 =	vperm.xlane v3, v2;
	_ =	sdelay $0x1  }
0xc1: {  	v3 =	vadd.s32 v1, v3  }
0xc2: {  	[tilespmem:s19], [sflag:$0x1] =	stream.indirect_vreg.gather [hbm4b:s1+s3], $0x80, v4, vm0, $0xb8;
	[tilespmem:$0x12100] =	vst v63  }
0xc3: {  	_ = 	snop  }
0xc4: {  	[tilespmem:s20], [sflag:$0x1] =	stream.indirect_vreg.gather [hbm4b:s4+s3], $0x80, v4, vm1, $0xb8;
	[tilespmem:$0x12100] =	vst v63  }
0xc5: {  	_ = 	snop  }
0xc6: {  	[tilespmem:s21], [sflag:$0x1] =	stream.indirect_vreg.gather [hbm4b:s1+s3], $0x80, v3, vm0, $0xb8;
	[tilespmem:$0x12100] =	vst v63  }
0xc7: {  	_ = 	snop  }
0xc8: {  	[tilespmem:s22], [sflag:$0x1] =	stream.indirect_vreg.gather [hbm4b:s4+s3], $0x80, v3, vm1, $0xb8;
	[tilespmem:$0x12100] =	vst v63  }
0xc9: {  	v3 =	vld [tilespmem:$0xC0];
	_ =	sdelay $0x4  }
0xca: {  	v62 =	vshrl.u32 v3, $0x3  }
0xcb: {  	v4 =	vmul.u32 $0x18, v62  }
0xcc: {  	v3 =	vand.u32 $0x7, v3  }
0xcd: {  	v3 =	vor.u32 v3, v4  }
0xce: {  	v4 =	vperm.xlane v3, v0;
	_ =	sdelay $0x1  }
0xcf: {  	v4 =	vadd.s32 v1, v4;
	_ =	sdelay $0x1  }
0xd0: {  	v3 =	vperm.xlane v3, v2;
	_ =	sdelay $0x1  }
0xd1: {  	v3 =	vadd.s32 v1, v3  }
0xd2: {  	[tilespmem:s23], [sflag:$0x1] =	stream.indirect_vreg.gather [hbm4b:s1+s3], $0x80, v4, vm0, $0xb8;
	[tilespmem:$0x12100] =	vst v63  }
0xd3: {  	_ = 	snop  }
0xd4: {  	[tilespmem:s24], [sflag:$0x1] =	stream.indirect_vreg.gather [hbm4b:s4+s3], $0x80, v4, vm1, $0xb8;
	[tilespmem:$0x12100] =	vst v63  }
0xd5: {  	_ = 	snop  }
0xd6: {  	[tilespmem:s25], [sflag:$0x1] =	stream.indirect_vreg.gather [hbm4b:s1+s3], $0x80, v3, vm0, $0xb8;
	[tilespmem:$0x12100] =	vst v63  }
0xd7: {  	_ = 	snop  }
0xd8: {  	[tilespmem:s26], [sflag:$0x1] =	stream.indirect_vreg.gather [hbm4b:s4+s3], $0x80, v3, vm1, $0xb8;
	[tilespmem:$0x12100] =	vst v63  }
0xd9: {  	v3 =	vld [tilespmem:$0xD0];
	_ =	sdelay $0x4  }
0xda: {  	v63 =	vshrl.u32 v3, $0x3  }
0xdb: {  	v4 =	vmul.u32 $0x18, v63  }
0xdc: {  	v3 =	vand.u32 $0x7, v3  }
0xdd: {  	v3 =	vor.u32 v3, v4  }
0xde: {  	v4 =	vperm.xlane v3, v0;
	_ =	sdelay $0x1  }
0xdf: {  	v4 =	vadd.s32 v1, v4;
	_ =	sdelay $0x1  }
0xe0: {  	v3 =	vperm.xlane v3, v2;
	_ =	sdelay $0x1  }
0xe1: {  	v3 =	vadd.s32 v1, v3  }
0xe2: {  	[tilespmem:s28], [sflag:$0x1] =	stream.indirect_vreg.gather [hbm4b:s1+s3], $0x80, v4, vm0, $0xb8;
	[tilespmem:$0x12100] =	vst v63  }
0xe3: {  	_ = 	snop  }
0xe4: {  	[tilespmem:s29], [sflag:$0x1] =	stream.indirect_vreg.gather [hbm4b:s4+s3], $0x80, v4, vm1, $0xb8;
	[tilespmem:$0x12100] =	vst v63  }
0xe5: {  	_ = 	snop  }
0xe6: {  	[tilespmem:s30], [sflag:$0x1] =	stream.indirect_vreg.gather [hbm4b:s1+s3], $0x80, v3, vm0, $0xb8;
	[tilespmem:$0x12100] =	vst v63  }
0xe7: {  	_ = 	snop  }
0xe8: {  	[tilespmem:s31], [sflag:$0x1] =	stream.indirect_vreg.gather [hbm4b:s4+s3], $0x80, v3, vm1, $0xb8;
	[tilespmem:$0x12100] =	vst v63  }
0xe9: {  	_ =	swait.ge [sflag:s2], $0x9000  }
0xea: {  	[sflag:s2] =	ssyncset.done $0x0  }
0xeb: {  	[sflag:s2] =	ssyncadd.s32 $0xFFFF7000  }
0xec: {  	_ =	swait.ge [sflag:s2], $0x9000  }
0xed: {  	p0 =	sne.s32 s5, $0x1;
	[sflag:s2] =	ssyncset.done $0x0  }
.Ltmp0:
0xee: {  	s8 =	rddreg [dreg:$0x5];
	[sflag:s2] =	ssyncadd.s32 $0xFFFF7000;
	(pc) =	sbr.rel @p0 .LBB2_1-.Ltmp0, $4  }
0xef: {  	[hbm4b:s8+s3] =	stream.linear.scatter [tilespmem:s7], [sflag:$0x2], $0x12000, $0x38;
	[tilespmem:$0x12100] =	vst v63  }
0xf0: {  	_ =	swait.ge [sflag:s6], $0x12000  }
0xf1: {  	[sflag:s6] =	ssyncset.done $0x0  }
0xf2: {  	s5 =	sadd.s32 $0xFFFFFFFF, s5;
	[sflag:s6] =	ssyncadd.s32 $0xFFFEE000  }
0xf3: {  	_ =	sfence.sel $0x180000  }
0xf4: {  	[bflag:$0x0] =	sbarrier.arrive $0xFFFF  }
0xf5: {  	_ =	strace $0x90000047  }
0xf6: {  	s0 =	stileid.u32;
	[bflag:$0x2] =	sbarrier.arrive $0xFFFF  }
0xf7: {  	p0 =	sne.s32 s0, $0x0;
	s0 =	rddreg [dreg:$0x3]  }
0xf8: {  	s0 =	sadd.s32 @!p0 $0x100000, s0  }
0xf9: {  	[sflag:s0] =	ssyncadd.tile.s32 @!p0 $0x1;
	_ =	shalt  }
.Lfunc_end2:
_tile_overlayer_lowered:
.L_overlay_start_2:
0xfa: {  	(tag) =	ssettag $0x2  }
0xfb: {  	s0 =	rddreg [dreg:$0x0];
	s2 =	stileid.u32  }
0xfc: {  	s1 =	rddreg [dreg:$0x1];
	p0 =	sne.s32 s2, $0x0  }
0xfd: {  	s3 =	rddreg [dreg:$0x2];
	[bflag:$0x3] =	sbarrier.arrive $0xFFFF;
	s2 =	simm.s32 @!p0 $0x1C02  }
0xfe: {  	[timem:s3], [sflag:s2] =	dma.local @!p0 [hbm:s0], s1  }
0xff: {  	s0 =	simm.s32 @!p0 $0x2  }
0x100: {  	_ =	swait.ge @!p0 [sflag:s0], s1  }
0x101: {  	s1 =	ssub.s32 @!p0 $0x0, s1;
	[sflag:s0] =	ssyncset.done @!p0 $0x0  }
0x102: {  	[sflag:s0] =	ssyncadd.s32 @!p0 s1  }
0x103: {  	[bflag:$0x3] =	sbarrier.arrive $0xFFFF  }
0x104: {  	_ =	shalt  }

</sc_bundles>
